<compile_context>
chip_gen: v7x
topology: tpu7x:2x2x1
jax: 0.10.2.dev20260603
libtpu: 0.0.44.dev20260713+nightly
codegen_flags: <defaults>
</compile_context>

<pallas_src>
import jax
import jax.numpy as jnp
from jax import lax
from jax.experimental import pallas as pl
from jax.experimental.pallas import tpu as pltpu
from jax.experimental.pallas import tpu_sc as plsc

N = 10000
E = 320000
D = 128
NC = 2
NS = 16
NW = NC * NS
EPW = E // NW
CHUNK = 80
CHUNKS = EPW // CHUNK
N_PAD = 10240
RPT = N_PAD // NS
ZR = 40


def _sc_body(feat, src, dst, zrow_h, zdeg_h, aggp, degp,
             sidx, didx, rowsv, zrowv, degv, agg_sh,
             semg0, semg1, semg2, semi0, semi1, semi2, semi3, semi4, semi5,
             sems0, sems1, sems2):
    cid = lax.axis_index("c")
    sid = lax.axis_index("s")
    wid = cid * NS + sid
    base = wid * EPW
    row0 = sid * RPT
    semg = (semg0, semg1, semg2)
    semi = (semi0, semi1, semi2, semi3, semi4, semi5)
    sems = (sems0, sems1, sems2)

    ones16 = jnp.full((16,), 1.0, jnp.float32)

    def load_idx(c, b):
        off = base + c * CHUNK
        pltpu.async_copy(src.at[pl.ds(off, CHUNK)], sidx.at[b], semi[b])
        pltpu.async_copy(dst.at[pl.ds(off, CHUNK)], didx.at[b], semi[b])

    def wait_idx(b):
        pltpu.make_async_copy(src.at[pl.ds(0, CHUNK)], sidx.at[b], semi[b]).wait()
        pltpu.make_async_copy(dst.at[pl.ds(0, CHUNK)], didx.at[b], semi[b]).wait()

    def start_gather(rb, ib):
        pltpu.async_copy(feat.at[didx.at[ib]], rowsv.at[rb], semg[rb])

    def wait_gather(rb):
        pltpu.make_async_copy(feat.at[pl.ds(0, CHUNK)], rowsv.at[rb], semg[rb]).wait()

    def start_scatter(rb, ib):
        pltpu.async_copy(rowsv.at[rb], agg_sh.at[sidx.at[ib]], sems[rb],
                         add=True)

    def wait_scatter(rb):
        pltpu.make_async_copy(rowsv.at[rb], agg_sh.at[pl.ds(0, CHUNK)],
                              sems[rb]).wait()

    load_idx(0, 0)
    load_idx(1, 1)
    load_idx(2, 2)
    load_idx(3, 3)
    wait_idx(0)
    start_gather(0, 0)
    wait_idx(1)
    start_gather(1, 1)

    pltpu.sync_copy(zrow_h, zrowv)
    pltpu.sync_copy(zdeg_h, degv)
    for z in range(RPT // ZR):
        pltpu.sync_copy(zrowv, agg_sh.at[pl.ds(row0 + z * ZR, ZR)])
    plsc.subcore_barrier()

    def body(c, carry):
        def step(rb, ib):
            g2rb, g2ib = (rb + 2) % 3, (ib + 2) % 6
            wait_gather(rb)

            @pl.when(c >= 1)
            def _():
                wait_scatter(g2rb)

            @pl.when(c < CHUNKS - 2)
            def _():
                wait_idx(g2ib)
                start_gather(g2rb, g2ib)

            start_scatter(rb, ib)
            for k in range(CHUNK // 16):
                idxv = sidx[ib, pl.ds(k * 16, 16)]
                plsc.addupdate_scatter(degv, [idxv], ones16)

            @pl.when(c < CHUNKS - 4)
            def _():
                load_idx(c + 4, (ib + 4) % 6)

        r6 = lax.rem(c, 6)
        for m in range(6):
            @pl.when(r6 == m)
            def _(m=m):
                step(m % 3, m % 6)

        return carry

    lax.fori_loop(0, CHUNKS, body, 0)
    wait_scatter((CHUNKS - 1) % 3)
    plsc.subcore_barrier()

    pltpu.sync_copy(agg_sh.at[pl.ds(row0, RPT)],
                    aggp.at[cid].at[pl.ds(row0, RPT)])
    pltpu.sync_copy(degv, degp.at[wid])


_sc_call = pl.kernel(
    _sc_body,
    out_type=[
        jax.ShapeDtypeStruct((NC, N_PAD, D), jnp.float32),
        jax.ShapeDtypeStruct((NW, N_PAD), jnp.float32),
    ],
    mesh=plsc.VectorSubcoreMesh(core_axis_name="c", subcore_axis_name="s"),
    compiler_params=pltpu.CompilerParams(needs_layout_passes=False),
    scratch_types=[
        pltpu.VMEM((6, CHUNK), jnp.int32),
        pltpu.VMEM((6, CHUNK), jnp.int32),
        pltpu.VMEM((3, CHUNK, D), jnp.float32),
        pltpu.VMEM((ZR, D), jnp.float32),
        pltpu.VMEM((N_PAD,), jnp.float32),
        pltpu.VMEM_SHARED((N_PAD, D), jnp.float32),
        pltpu.SemaphoreType.DMA,
        pltpu.SemaphoreType.DMA,
        pltpu.SemaphoreType.DMA,
        pltpu.SemaphoreType.DMA,
        pltpu.SemaphoreType.DMA,
        pltpu.SemaphoreType.DMA,
        pltpu.SemaphoreType.DMA,
        pltpu.SemaphoreType.DMA,
        pltpu.SemaphoreType.DMA,
        pltpu.SemaphoreType.DMA,
        pltpu.SemaphoreType.DMA,
        pltpu.SemaphoreType.DMA,
    ],
)


def _tc_body(p_ref, dg_ref, x_ref, ww_ref, bw_ref, bias_ref, o_ref):
    agg = p_ref[0] + p_ref[1]
    deg = jnp.sum(dg_ref[...], axis=0)
    inv = jnp.where(deg > 0, 1.0 / deg, 0.0)
    h = agg * inv[:, None]
    out = lax.dot_general(h, ww_ref[...], (((1,), (1,)), ((), ())),
                          preferred_element_type=jnp.float32)
    out = out + lax.dot_general(x_ref[...], bw_ref[...], (((1,), (1,)), ((), ())),
                                preferred_element_type=jnp.float32)
    o_ref[...] = out + bias_ref[...]


BLK = 1024


def _tc_combine(aggp, degp, x, ww, bw, bias):
    grid = (N_PAD // BLK,)
    return pl.pallas_call(
        _tc_body,
        grid=grid,
        in_specs=[
            pl.BlockSpec((NC, BLK, D), lambda i: (0, i, 0)),
            pl.BlockSpec((NW, BLK), lambda i: (0, i)),
            pl.BlockSpec((BLK, D), lambda i: (i, 0)),
            pl.BlockSpec((D, D), lambda i: (0, 0)),
            pl.BlockSpec((D, D), lambda i: (0, 0)),
            pl.BlockSpec((1, D), lambda i: (0, 0)),
        ],
        out_specs=pl.BlockSpec((BLK, D), lambda i: (i, 0)),
        out_shape=jax.ShapeDtypeStruct((N, D), jnp.float32),
    )(aggp, degp, x, ww, bw, bias)


def kernel(features, edge_index, W_w, W_b, B_w, B_b):
    src = edge_index[0]
    dst = edge_index[1]
    zrow_h = jnp.zeros((ZR, D), jnp.float32)
    zdeg_h = jnp.zeros((N_PAD,), jnp.float32)
    aggp, degp = _sc_call(features, src, dst, zrow_h, zdeg_h)
    bias = (W_b + B_b).reshape(1, D)
    return _tc_combine(aggp, degp, features, W_w, B_w, bias)

# --- scband reference (transcript-rebuilt; emitter-appended) ---
"""Pipeline reference for scband-gcnlayer-12584254177941 (READ-ONLY COPY).

The authoritative reference and input builder live on the scoring server;
editing this copy changes nothing except your own understanding.
"""

import jax, jax.numpy as jnp
import numpy as np

N = 10000
E = 320000
D_IN = 128
D_OUT = 128

def setup_inputs(seed: int = 0) -> dict:
    key = jax.random.key(seed)
    k1, k2, k3, k4, k5, k6 = jax.random.split(key, 6)
    features = jax.random.normal(k1, (N, D_IN), dtype=jnp.float32)
    edge_index = jax.random.randint(k2, (2, E), 0, N, dtype=jnp.int32)
    s = 1.0 / np.sqrt(D_IN)
    W_w = jax.random.uniform(k3, (D_OUT, D_IN), dtype=jnp.float32, minval=-s, maxval=s)
    W_b = jax.random.uniform(k4, (D_OUT,), dtype=jnp.float32, minval=-s, maxval=s)
    B_w = jax.random.uniform(k5, (D_OUT, D_IN), dtype=jnp.float32, minval=-s, maxval=s)
    B_b = jax.random.uniform(k6, (D_OUT,), dtype=jnp.float32, minval=-s, maxval=s)
    return {"features": features, "edge_index": edge_index, "W_w": W_w, "W_b": W_b, "B_w": B_w, "B_b": B_b}

def reference(features, edge_index, W_w, W_b, B_w, B_b):
    n = features.shape[0]
    src = edge_index[0]
    dst = edge_index[1]
    # sparse_adj_matrix @ features: row i sums features of column-neighbors j
    agg = jax.ops.segment_sum(jnp.take(features, dst, axis=0), src, num_segments=n)
    # inverse degree diagonal matrix @ agg
    deg = jnp.bincount(src, length=n).astype(jnp.float32)
    inv_deg = jnp.where(deg > 0, 1.0 / deg, 0.0)
    featureW = agg * inv_deg[:, None]
    featureW = featureW @ W_w.T + W_b
    featureB = features @ B_w.T + B_b
    return featureW + featureB

if __name__ == "__main__":
    import jax
    _d = setup_inputs()
    print(jax.jit(kernel)(*tuple(_d.values())))

</pallas_src>

<mosaic_0001>
#map = affine_map<(d0, d1) -> (0, 0)>
#map1 = affine_map<(d0, d1) -> (0)>
#map2 = affine_map<(d0, d1) -> (0, 0, 0)>
module attributes {stable_mosaic.version = 14 : i64} {
  func.func @_sc_body(%arg0: i32, %arg1: i32, %arg2: memref<10000x128xf32, #tpu.memory_space<hbm>>, %arg3: memref<320000xi32, #tpu.memory_space<hbm>>, %arg4: memref<320000xi32, #tpu.memory_space<hbm>>, %arg5: memref<40x128xf32, #tpu.memory_space<hbm>>, %arg6: memref<10240xf32, #tpu.memory_space<hbm>>, %arg7: memref<2x10240x128xf32, #tpu.memory_space<hbm>>, %arg8: memref<32x10240xf32, #tpu.memory_space<hbm>>, %arg9: memref<6x80xi32, #tpu.memory_space<vmem>>, %arg10: memref<6x80xi32, #tpu.memory_space<vmem>>, %arg11: memref<3x80x128xf32, #tpu.memory_space<vmem>>, %arg12: memref<40x128xf32, #tpu.memory_space<vmem>>, %arg13: memref<10240xf32, #tpu.memory_space<vmem>>, %arg14: memref<10240x128xf32, #tpu.memory_space<vmem_shared>>, %arg15: memref<!tpu.dma_semaphore, #tpu.memory_space<semaphore_mem>>, %arg16: memref<!tpu.dma_semaphore, #tpu.memory_space<semaphore_mem>>, %arg17: memref<!tpu.dma_semaphore, #tpu.memory_space<semaphore_mem>>, %arg18: memref<!tpu.dma_semaphore, #tpu.memory_space<semaphore_mem>>, %arg19: memref<!tpu.dma_semaphore, #tpu.memory_space<semaphore_mem>>, %arg20: memref<!tpu.dma_semaphore, #tpu.memory_space<semaphore_mem>>, %arg21: memref<!tpu.dma_semaphore, #tpu.memory_space<semaphore_mem>>, %arg22: memref<!tpu.dma_semaphore, #tpu.memory_space<semaphore_mem>>, %arg23: memref<!tpu.dma_semaphore, #tpu.memory_space<semaphore_mem>>, %arg24: memref<!tpu.dma_semaphore, #tpu.memory_space<semaphore_mem>>, %arg25: memref<!tpu.dma_semaphore, #tpu.memory_space<semaphore_mem>>, %arg26: memref<!tpu.dma_semaphore, #tpu.memory_space<semaphore_mem>>) attributes {dimension_semantics = [#tpu.dimension_semantics<core_parallel>, #tpu.dimension_semantics<subcore_parallel>], iteration_bounds = array<i64: 2, 16>, scalar_prefetch = 0 : i64, scratch_operands = 18 : i64, tpu.core_type = #tpu.core_type<sc_vector_subcore>, window_params = [{transform_indices = #map}, {transform_indices = #map1}, {transform_indices = #map1}, {transform_indices = #map}, {transform_indices = #map1}, {transform_indices = #map2}, {transform_indices = #map}]} {
    %mul3A = arith.constant 16 : i32
    %mul3A_0 = arith.muli %arg0, %mul3A : i32
    %add3A = arith.addi %mul3A_0, %arg1 : i32
    %mul3A_1 = arith.constant 10000 : i32
    %mul3A_2 = arith.muli %add3A, %mul3A_1 : i32
    %mul3A_3 = arith.constant 640 : i32
    %mul3A_4 = arith.muli %arg1, %mul3A_3 : i32
    %broadcast_in_dim3A = arith.constant 1.000000e+00 : f32
    %broadcast_in_dim3A_5 = vector.broadcast %broadcast_in_dim3A : f32 to vector<16xf32>
    %add3A_6 = arith.constant 0 : i32
    %add3A_7 = arith.addi %mul3A_2, %add3A_6 : i32
    %dma_start3A = arith.constant 0 : i32
    %dma_start3A_8 = arith.constant 0 : i32
    %dma_start3A_9 = tpu.memref_slice %arg9[%dma_start3A, %dma_start3A_8] : memref<6x80xi32, #tpu.memory_space<vmem>> -> memref<1x80xi32, #tpu.memory_space<vmem>>
    %dma_start3A_10 = tpu.memref_squeeze %dma_start3A_9 : memref<1x80xi32, #tpu.memory_space<vmem>> -> memref<80xi32, #tpu.memory_space<vmem>>
    %dma_start3A_11 = tpu.memref_slice %arg3[%add3A_7] : memref<320000xi32, #tpu.memory_space<hbm>> -> memref<80xi32, #tpu.memory_space<hbm>>
    %dma_start3A_12 = arith.constant 0 : i32
    %dma_start3A_13 = tpu.memref_slice %arg9[%dma_start3A, %dma_start3A_12] : memref<6x80xi32, #tpu.memory_space<vmem>> -> memref<1x80xi32, #tpu.memory_space<vmem>>
    %dma_start3A_14 = tpu.memref_squeeze %dma_start3A_13 : memref<1x80xi32, #tpu.memory_space<vmem>> -> memref<80xi32, #tpu.memory_space<vmem>>
    %dma_start3A_15 = tpu.memref_slice %arg3[%add3A_7] : memref<320000xi32, #tpu.memory_space<hbm>> -> memref<80xi32, #tpu.memory_space<hbm>>
    tpu.enqueue_dma source(%dma_start3A_15 : memref<80xi32, #tpu.memory_space<hbm>>) target(%dma_start3A_14 : memref<80xi32, #tpu.memory_space<vmem>>) target_semaphore(%arg18 : memref<!tpu.dma_semaphore, #tpu.memory_space<semaphore_mem>>)
    %dma_start3A_16 = arith.constant 0 : i32
    %dma_start3A_17 = arith.constant 0 : i32
    %dma_start3A_18 = tpu.memref_slice %arg10[%dma_start3A_16, %dma_start3A_17] : memref<6x80xi32, #tpu.memory_space<vmem>> -> memref<1x80xi32, #tpu.memory_space<vmem>>
    %dma_start3A_19 = tpu.memref_squeeze %dma_start3A_18 : memref<1x80xi32, #tpu.memory_space<vmem>> -> memref<80xi32, #tpu.memory_space<vmem>>
    %dma_start3A_20 = tpu.memref_slice %arg4[%add3A_7] : memref<320000xi32, #tpu.memory_space<hbm>> -> memref<80xi32, #tpu.memory_space<hbm>>
    %dma_start3A_21 = arith.constant 0 : i32
    %dma_start3A_22 = tpu.memref_slice %arg10[%dma_start3A_16, %dma_start3A_21] : memref<6x80xi32, #tpu.memory_space<vmem>> -> memref<1x80xi32, #tpu.memory_space<vmem>>
    %dma_start3A_23 = tpu.memref_squeeze %dma_start3A_22 : memref<1x80xi32, #tpu.memory_space<vmem>> -> memref<80xi32, #tpu.memory_space<vmem>>
    %dma_start3A_24 = tpu.memref_slice %arg4[%add3A_7] : memref<320000xi32, #tpu.memory_space<hbm>> -> memref<80xi32, #tpu.memory_space<hbm>>
    tpu.enqueue_dma source(%dma_start3A_24 : memref<80xi32, #tpu.memory_space<hbm>>) target(%dma_start3A_23 : memref<80xi32, #tpu.memory_space<vmem>>) target_semaphore(%arg18 : memref<!tpu.dma_semaphore, #tpu.memory_space<semaphore_mem>>)
    %add3A_25 = arith.constant 80 : i32
    %add3A_26 = arith.addi %mul3A_2, %add3A_25 : i32
    %dma_start3A_27 = arith.constant 1 : i32
    %dma_start3A_28 = arith.constant 0 : i32
    %dma_start3A_29 = tpu.memref_slice %arg9[%dma_start3A_27, %dma_start3A_28] : memref<6x80xi32, #tpu.memory_space<vmem>> -> memref<1x80xi32, #tpu.memory_space<vmem>>
    %dma_start3A_30 = tpu.memref_squeeze %dma_start3A_29 : memref<1x80xi32, #tpu.memory_space<vmem>> -> memref<80xi32, #tpu.memory_space<vmem>>
    %dma_start3A_31 = tpu.memref_slice %arg3[%add3A_26] : memref<320000xi32, #tpu.memory_space<hbm>> -> memref<80xi32, #tpu.memory_space<hbm>>
    %dma_start3A_32 = arith.constant 0 : i32
    %dma_start3A_33 = tpu.memref_slice %arg9[%dma_start3A_27, %dma_start3A_32] : memref<6x80xi32, #tpu.memory_space<vmem>> -> memref<1x80xi32, #tpu.memory_space<vmem>>
    %dma_start3A_34 = tpu.memref_squeeze %dma_start3A_33 : memref<1x80xi32, #tpu.memory_space<vmem>> -> memref<80xi32, #tpu.memory_space<vmem>>
    %dma_start3A_35 = tpu.memref_slice %arg3[%add3A_26] : memref<320000xi32, #tpu.memory_space<hbm>> -> memref<80xi32, #tpu.memory_space<hbm>>
    tpu.enqueue_dma source(%dma_start3A_35 : memref<80xi32, #tpu.memory_space<hbm>>) target(%dma_start3A_34 : memref<80xi32, #tpu.memory_space<vmem>>) target_semaphore(%arg19 : memref<!tpu.dma_semaphore, #tpu.memory_space<semaphore_mem>>)
    %dma_start3A_36 = arith.constant 1 : i32
    %dma_start3A_37 = arith.constant 0 : i32
    %dma_start3A_38 = tpu.memref_slice %arg10[%dma_start3A_36, %dma_start3A_37] : memref<6x80xi32, #tpu.memory_space<vmem>> -> memref<1x80xi32, #tpu.memory_space<vmem>>
    %dma_start3A_39 = tpu.memref_squeeze %dma_start3A_38 : memref<1x80xi32, #tpu.memory_space<vmem>> -> memref<80xi32, #tpu.memory_space<vmem>>
    %dma_start3A_40 = tpu.memref_slice %arg4[%add3A_26] : memref<320000xi32, #tpu.memory_space<hbm>> -> memref<80xi32, #tpu.memory_space<hbm>>
    %dma_start3A_41 = arith.constant 0 : i32
    %dma_start3A_42 = tpu.memref_slice %arg10[%dma_start3A_36, %dma_start3A_41] : memref<6x80xi32, #tpu.memory_space<vmem>> -> memref<1x80xi32, #tpu.memory_space<vmem>>
    %dma_start3A_43 = tpu.memref_squeeze %dma_start3A_42 : memref<1x80xi32, #tpu.memory_space<vmem>> -> memref<80xi32, #tpu.memory_space<vmem>>
    %dma_start3A_44 = tpu.memref_slice %arg4[%add3A_26] : memref<320000xi32, #tpu.memory_space<hbm>> -> memref<80xi32, #tpu.memory_space<hbm>>
    tpu.enqueue_dma source(%dma_start3A_44 : memref<80xi32, #tpu.memory_space<hbm>>) target(%dma_start3A_43 : memref<80xi32, #tpu.memory_space<vmem>>) target_semaphore(%arg19 : memref<!tpu.dma_semaphore, #tpu.memory_space<semaphore_mem>>)
    %add3A_45 = arith.constant 160 : i32
    %add3A_46 = arith.addi %mul3A_2, %add3A_45 : i32
    %dma_start3A_47 = arith.constant 2 : i32
    %dma_start3A_48 = arith.constant 0 : i32
    %dma_start3A_49 = tpu.memref_slice %arg9[%dma_start3A_47, %dma_start3A_48] : memref<6x80xi32, #tpu.memory_space<vmem>> -> memref<1x80xi32, #tpu.memory_space<vmem>>
    %dma_start3A_50 = tpu.memref_squeeze %dma_start3A_49 : memref<1x80xi32, #tpu.memory_space<vmem>> -> memref<80xi32, #tpu.memory_space<vmem>>
    %dma_start3A_51 = tpu.memref_slice %arg3[%add3A_46] : memref<320000xi32, #tpu.memory_space<hbm>> -> memref<80xi32, #tpu.memory_space<hbm>>
    %dma_start3A_52 = arith.constant 0 : i32
    %dma_start3A_53 = tpu.memref_slice %arg9[%dma_start3A_47, %dma_start3A_52] : memref<6x80xi32, #tpu.memory_space<vmem>> -> memref<1x80xi32, #tpu.memory_space<vmem>>
    %dma_start3A_54 = tpu.memref_squeeze %dma_start3A_53 : memref<1x80xi32, #tpu.memory_space<vmem>> -> memref<80xi32, #tpu.memory_space<vmem>>
    %dma_start3A_55 = tpu.memref_slice %arg3[%add3A_46] : memref<320000xi32, #tpu.memory_space<hbm>> -> memref<80xi32, #tpu.memory_space<hbm>>
    tpu.enqueue_dma source(%dma_start3A_55 : memref<80xi32, #tpu.memory_space<hbm>>) target(%dma_start3A_54 : memref<80xi32, #tpu.memory_space<vmem>>) target_semaphore(%arg20 : memref<!tpu.dma_semaphore, #tpu.memory_space<semaphore_mem>>)
    %dma_start3A_56 = arith.constant 2 : i32
    %dma_start3A_57 = arith.constant 0 : i32
    %dma_start3A_58 = tpu.memref_slice %arg10[%dma_start3A_56, %dma_start3A_57] : memref<6x80xi32, #tpu.memory_space<vmem>> -> memref<1x80xi32, #tpu.memory_space<vmem>>
    %dma_start3A_59 = tpu.memref_squeeze %dma_start3A_58 : memref<1x80xi32, #tpu.memory_space<vmem>> -> memref<80xi32, #tpu.memory_space<vmem>>
    %dma_start3A_60 = tpu.memref_slice %arg4[%add3A_46] : memref<320000xi32, #tpu.memory_space<hbm>> -> memref<80xi32, #tpu.memory_space<hbm>>
    %dma_start3A_61 = arith.constant 0 : i32
    %dma_start3A_62 = tpu.memref_slice %arg10[%dma_start3A_56, %dma_start3A_61] : memref<6x80xi32, #tpu.memory_space<vmem>> -> memref<1x80xi32, #tpu.memory_space<vmem>>
    %dma_start3A_63 = tpu.memref_squeeze %dma_start3A_62 : memref<1x80xi32, #tpu.memory_space<vmem>> -> memref<80xi32, #tpu.memory_space<vmem>>
    %dma_start3A_64 = tpu.memref_slice %arg4[%add3A_46] : memref<320000xi32, #tpu.memory_space<hbm>> -> memref<80xi32, #tpu.memory_space<hbm>>
    tpu.enqueue_dma source(%dma_start3A_64 : memref<80xi32, #tpu.memory_space<hbm>>) target(%dma_start3A_63 : memref<80xi32, #tpu.memory_space<vmem>>) target_semaphore(%arg20 : memref<!tpu.dma_semaphore, #tpu.memory_space<semaphore_mem>>)
    %add3A_65 = arith.constant 240 : i32
    %add3A_66 = arith.addi %mul3A_2, %add3A_65 : i32
    %dma_start3A_67 = arith.constant 3 : i32
    %dma_start3A_68 = arith.constant 0 : i32
    %dma_start3A_69 = tpu.memref_slice %arg9[%dma_start3A_67, %dma_start3A_68] : memref<6x80xi32, #tpu.memory_space<vmem>> -> memref<1x80xi32, #tpu.memory_space<vmem>>
    %dma_start3A_70 = tpu.memref_squeeze %dma_start3A_69 : memref<1x80xi32, #tpu.memory_space<vmem>> -> memref<80xi32, #tpu.memory_space<vmem>>
    %dma_start3A_71 = tpu.memref_slice %arg3[%add3A_66] : memref<320000xi32, #tpu.memory_space<hbm>> -> memref<80xi32, #tpu.memory_space<hbm>>
    %dma_start3A_72 = arith.constant 0 : i32
    %dma_start3A_73 = tpu.memref_slice %arg9[%dma_start3A_67, %dma_start3A_72] : memref<6x80xi32, #tpu.memory_space<vmem>> -> memref<1x80xi32, #tpu.memory_space<vmem>>
    %dma_start3A_74 = tpu.memref_squeeze %dma_start3A_73 : memref<1x80xi32, #tpu.memory_space<vmem>> -> memref<80xi32, #tpu.memory_space<vmem>>
    %dma_start3A_75 = tpu.memref_slice %arg3[%add3A_66] : memref<320000xi32, #tpu.memory_space<hbm>> -> memref<80xi32, #tpu.memory_space<hbm>>
    tpu.enqueue_dma source(%dma_start3A_75 : memref<80xi32, #tpu.memory_space<hbm>>) target(%dma_start3A_74 : memref<80xi32, #tpu.memory_space<vmem>>) target_semaphore(%arg21 : memref<!tpu.dma_semaphore, #tpu.memory_space<semaphore_mem>>)
    %dma_start3A_76 = arith.constant 3 : i32
    %dma_start3A_77 = arith.constant 0 : i32
    %dma_start3A_78 = tpu.memref_slice %arg10[%dma_start3A_76, %dma_start3A_77] : memref<6x80xi32, #tpu.memory_space<vmem>> -> memref<1x80xi32, #tpu.memory_space<vmem>>
    %dma_start3A_79 = tpu.memref_squeeze %dma_start3A_78 : memref<1x80xi32, #tpu.memory_space<vmem>> -> memref<80xi32, #tpu.memory_space<vmem>>
    %dma_start3A_80 = tpu.memref_slice %arg4[%add3A_66] : memref<320000xi32, #tpu.memory_space<hbm>> -> memref<80xi32, #tpu.memory_space<hbm>>
    %dma_start3A_81 = arith.constant 0 : i32
    %dma_start3A_82 = tpu.memref_slice %arg10[%dma_start3A_76, %dma_start3A_81] : memref<6x80xi32, #tpu.memory_space<vmem>> -> memref<1x80xi32, #tpu.memory_space<vmem>>
    %dma_start3A_83 = tpu.memref_squeeze %dma_start3A_82 : memref<1x80xi32, #tpu.memory_space<vmem>> -> memref<80xi32, #tpu.memory_space<vmem>>
    %dma_start3A_84 = tpu.memref_slice %arg4[%add3A_66] : memref<320000xi32, #tpu.memory_space<hbm>> -> memref<80xi32, #tpu.memory_space<hbm>>
    tpu.enqueue_dma source(%dma_start3A_84 : memref<80xi32, #tpu.memory_space<hbm>>) target(%dma_start3A_83 : memref<80xi32, #tpu.memory_space<vmem>>) target_semaphore(%arg21 : memref<!tpu.dma_semaphore, #tpu.memory_space<semaphore_mem>>)
    %dma_wait3A = arith.constant 0 : i32
    %dma_wait3A_85 = arith.constant 0 : i32
    %dma_wait3A_86 = tpu.memref_slice %arg9[%dma_wait3A, %dma_wait3A_85] : memref<6x80xi32, #tpu.memory_space<vmem>> -> memref<1x80xi32, #tpu.memory_space<vmem>>
    %dma_wait3A_87 = tpu.memref_squeeze %dma_wait3A_86 : memref<1x80xi32, #tpu.memory_space<vmem>> -> memref<80xi32, #tpu.memory_space<vmem>>
    %dma_wait3A_88 = arith.constant 0 : i32
    %dma_wait3A_89 = tpu.memref_slice %arg3[%dma_wait3A_88] : memref<320000xi32, #tpu.memory_space<hbm>> -> memref<80xi32, #tpu.memory_space<hbm>>
    %dma_wait3A_90 = arith.constant 0 : i32
    %dma_wait3A_91 = tpu.memref_slice %arg9[%dma_wait3A, %dma_wait3A_90] : memref<6x80xi32, #tpu.memory_space<vmem>> -> memref<1x80xi32, #tpu.memory_space<vmem>>
    %dma_wait3A_92 = tpu.memref_squeeze %dma_wait3A_91 : memref<1x80xi32, #tpu.memory_space<vmem>> -> memref<80xi32, #tpu.memory_space<vmem>>
    %dma_wait3A_93 = arith.constant 0 : i32
    %dma_wait3A_94 = tpu.memref_slice %arg3[%dma_wait3A_93] : memref<320000xi32, #tpu.memory_space<hbm>> -> memref<80xi32, #tpu.memory_space<hbm>>
    tpu.wait_dma2 semaphore(%arg18 : memref<!tpu.dma_semaphore, #tpu.memory_space<semaphore_mem>>) src(%dma_wait3A_94 : memref<80xi32, #tpu.memory_space<hbm>>) dst(%dma_wait3A_92 : memref<80xi32, #tpu.memory_space<vmem>>)
    %dma_wait3A_95 = arith.constant 0 : i32
    %dma_wait3A_96 = arith.constant 0 : i32
    %dma_wait3A_97 = tpu.memref_slice %arg10[%dma_wait3A_95, %dma_wait3A_96] : memref<6x80xi32, #tpu.memory_space<vmem>> -> memref<1x80xi32, #tpu.memory_space<vmem>>
    %dma_wait3A_98 = tpu.memref_squeeze %dma_wait3A_97 : memref<1x80xi32, #tpu.memory_space<vmem>> -> memref<80xi32, #tpu.memory_space<vmem>>
    %dma_wait3A_99 = arith.constant 0 : i32
    %dma_wait3A_100 = tpu.memref_slice %arg4[%dma_wait3A_99] : memref<320000xi32, #tpu.memory_space<hbm>> -> memref<80xi32, #tpu.memory_space<hbm>>
    %dma_wait3A_101 = arith.constant 0 : i32
    %dma_wait3A_102 = tpu.memref_slice %arg10[%dma_wait3A_95, %dma_wait3A_101] : memref<6x80xi32, #tpu.memory_space<vmem>> -> memref<1x80xi32, #tpu.memory_space<vmem>>
    %dma_wait3A_103 = tpu.memref_squeeze %dma_wait3A_102 : memref<1x80xi32, #tpu.memory_space<vmem>> -> memref<80xi32, #tpu.memory_space<vmem>>
    %dma_wait3A_104 = arith.constant 0 : i32
    %dma_wait3A_105 = tpu.memref_slice %arg4[%dma_wait3A_104] : memref<320000xi32, #tpu.memory_space<hbm>> -> memref<80xi32, #tpu.memory_space<hbm>>
    tpu.wait_dma2 semaphore(%arg18 : memref<!tpu.dma_semaphore, #tpu.memory_space<semaphore_mem>>) src(%dma_wait3A_105 : memref<80xi32, #tpu.memory_space<hbm>>) dst(%dma_wait3A_103 : memref<80xi32, #tpu.memory_space<vmem>>)
    %dma_start3A_106 = arith.constant 0 : i32
    %dma_start3A_107 = arith.constant 0 : i32
    %dma_start3A_108 = arith.constant 0 : i32
    %dma_start3A_109 = arith.constant 0 : i32
    %dma_start3A_110 = tpu.memref_slice %arg11[%dma_start3A_107, %dma_start3A_108, %dma_start3A_109] : memref<3x80x128xf32, #tpu.memory_space<vmem>> -> memref<1x80x128xf32, #tpu.memory_space<vmem>>
    %dma_start3A_111 = tpu.memref_squeeze %dma_start3A_110 : memref<1x80x128xf32, #tpu.memory_space<vmem>> -> memref<80x128xf32, #tpu.memory_space<vmem>>
    %dma_start3A_112 = arith.constant 0 : i32
    %dma_start3A_113 = tpu.memref_slice %arg10[%dma_start3A_106, %dma_start3A_112] : memref<6x80xi32, #tpu.memory_space<vmem>> -> memref<1x80xi32, #tpu.memory_space<vmem>>
    %dma_start3A_114 = tpu.memref_squeeze %dma_start3A_113 : memref<1x80xi32, #tpu.memory_space<vmem>> -> memref<80xi32, #tpu.memory_space<vmem>>
    %dma_start3A_115 = arith.constant 0 : i32
    %dma_start3A_116 = arith.constant 0 : i32
    %dma_start3A_117 = tpu.memref_slice %arg2[%dma_start3A_115, %dma_start3A_116] : memref<10000x128xf32, #tpu.memory_space<hbm>> -> memref<10000x128xf32, #tpu.memory_space<hbm>>
    tpu.enqueue_indirect_dma source(%dma_start3A_117 : memref<10000x128xf32, #tpu.memory_space<hbm>>) target(%dma_start3A_111 : memref<80x128xf32, #tpu.memory_space<vmem>>) offsets(%dma_start3A_114 : memref<80xi32, #tpu.memory_space<vmem>>) semaphore(%arg15 : memref<!tpu.dma_semaphore, #tpu.memory_space<semaphore_mem>>)
    %dma_wait3A_118 = arith.constant 1 : i32
    %dma_wait3A_119 = arith.constant 0 : i32
    %dma_wait3A_120 = tpu.memref_slice %arg9[%dma_wait3A_118, %dma_wait3A_119] : memref<6x80xi32, #tpu.memory_space<vmem>> -> memref<1x80xi32, #tpu.memory_space<vmem>>
    %dma_wait3A_121 = tpu.memref_squeeze %dma_wait3A_120 : memref<1x80xi32, #tpu.memory_space<vmem>> -> memref<80xi32, #tpu.memory_space<vmem>>
    %dma_wait3A_122 = arith.constant 0 : i32
    %dma_wait3A_123 = tpu.memref_slice %arg3[%dma_wait3A_122] : memref<320000xi32, #tpu.memory_space<hbm>> -> memref<80xi32, #tpu.memory_space<hbm>>
    %dma_wait3A_124 = arith.constant 0 : i32
    %dma_wait3A_125 = tpu.memref_slice %arg9[%dma_wait3A_118, %dma_wait3A_124] : memref<6x80xi32, #tpu.memory_space<vmem>> -> memref<1x80xi32, #tpu.memory_space<vmem>>
    %dma_wait3A_126 = tpu.memref_squeeze %dma_wait3A_125 : memref<1x80xi32, #tpu.memory_space<vmem>> -> memref<80xi32, #tpu.memory_space<vmem>>
    %dma_wait3A_127 = arith.constant 0 : i32
    %dma_wait3A_128 = tpu.memref_slice %arg3[%dma_wait3A_127] : memref<320000xi32, #tpu.memory_space<hbm>> -> memref<80xi32, #tpu.memory_space<hbm>>
    tpu.wait_dma2 semaphore(%arg19 : memref<!tpu.dma_semaphore, #tpu.memory_space<semaphore_mem>>) src(%dma_wait3A_128 : memref<80xi32, #tpu.memory_space<hbm>>) dst(%dma_wait3A_126 : memref<80xi32, #tpu.memory_space<vmem>>)
    %dma_wait3A_129 = arith.constant 1 : i32
    %dma_wait3A_130 = arith.constant 0 : i32
    %dma_wait3A_131 = tpu.memref_slice %arg10[%dma_wait3A_129, %dma_wait3A_130] : memref<6x80xi32, #tpu.memory_space<vmem>> -> memref<1x80xi32, #tpu.memory_space<vmem>>
    %dma_wait3A_132 = tpu.memref_squeeze %dma_wait3A_131 : memref<1x80xi32, #tpu.memory_space<vmem>> -> memref<80xi32, #tpu.memory_space<vmem>>
    %dma_wait3A_133 = arith.constant 0 : i32
    %dma_wait3A_134 = tpu.memref_slice %arg4[%dma_wait3A_133] : memref<320000xi32, #tpu.memory_space<hbm>> -> memref<80xi32, #tpu.memory_space<hbm>>
    %dma_wait3A_135 = arith.constant 0 : i32
    %dma_wait3A_136 = tpu.memref_slice %arg10[%dma_wait3A_129, %dma_wait3A_135] : memref<6x80xi32, #tpu.memory_space<vmem>> -> memref<1x80xi32, #tpu.memory_space<vmem>>
    %dma_wait3A_137 = tpu.memref_squeeze %dma_wait3A_136 : memref<1x80xi32, #tpu.memory_space<vmem>> -> memref<80xi32, #tpu.memory_space<vmem>>
    %dma_wait3A_138 = arith.constant 0 : i32
    %dma_wait3A_139 = tpu.memref_slice %arg4[%dma_wait3A_138] : memref<320000xi32, #tpu.memory_space<hbm>> -> memref<80xi32, #tpu.memory_space<hbm>>
    tpu.wait_dma2 semaphore(%arg19 : memref<!tpu.dma_semaphore, #tpu.memory_space<semaphore_mem>>) src(%dma_wait3A_139 : memref<80xi32, #tpu.memory_space<hbm>>) dst(%dma_wait3A_137 : memref<80xi32, #tpu.memory_space<vmem>>)
    %dma_start3A_140 = arith.constant 1 : i32
    %dma_start3A_141 = arith.constant 1 : i32
    %dma_start3A_142 = arith.constant 0 : i32
    %dma_start3A_143 = arith.constant 0 : i32
    %dma_start3A_144 = tpu.memref_slice %arg11[%dma_start3A_141, %dma_start3A_142, %dma_start3A_143] : memref<3x80x128xf32, #tpu.memory_space<vmem>> -> memref<1x80x128xf32, #tpu.memory_space<vmem>>
    %dma_start3A_145 = tpu.memref_squeeze %dma_start3A_144 : memref<1x80x128xf32, #tpu.memory_space<vmem>> -> memref<80x128xf32, #tpu.memory_space<vmem>>
    %dma_start3A_146 = arith.constant 0 : i32
    %dma_start3A_147 = tpu.memref_slice %arg10[%dma_start3A_140, %dma_start3A_146] : memref<6x80xi32, #tpu.memory_space<vmem>> -> memref<1x80xi32, #tpu.memory_space<vmem>>
    %dma_start3A_148 = tpu.memref_squeeze %dma_start3A_147 : memref<1x80xi32, #tpu.memory_space<vmem>> -> memref<80xi32, #tpu.memory_space<vmem>>
    %dma_start3A_149 = arith.constant 0 : i32
    %dma_start3A_150 = arith.constant 0 : i32
    %dma_start3A_151 = tpu.memref_slice %arg2[%dma_start3A_149, %dma_start3A_150] : memref<10000x128xf32, #tpu.memory_space<hbm>> -> memref<10000x128xf32, #tpu.memory_space<hbm>>
    tpu.enqueue_indirect_dma source(%dma_start3A_151 : memref<10000x128xf32, #tpu.memory_space<hbm>>) target(%dma_start3A_145 : memref<80x128xf32, #tpu.memory_space<vmem>>) offsets(%dma_start3A_148 : memref<80xi32, #tpu.memory_space<vmem>>) semaphore(%arg16 : memref<!tpu.dma_semaphore, #tpu.memory_space<semaphore_mem>>)
    "tpu.region"() ({
      %run_scoped3A = tpu.sem_alloc : memref<!tpu.dma_semaphore, #tpu.memory_space<semaphore_mem>>
      tpu.enqueue_dma source(%arg5 : memref<40x128xf32, #tpu.memory_space<hbm>>) target(%arg12 : memref<40x128xf32, #tpu.memory_space<vmem>>) target_semaphore(%run_scoped3A : memref<!tpu.dma_semaphore, #tpu.memory_space<semaphore_mem>>)
      tpu.wait_dma2 semaphore(%run_scoped3A : memref<!tpu.dma_semaphore, #tpu.memory_space<semaphore_mem>>) src(%arg5 : memref<40x128xf32, #tpu.memory_space<hbm>>) dst(%arg12 : memref<40x128xf32, #tpu.memory_space<vmem>>)
      tpu.yield
    }) : () -> ()
    "tpu.region"() ({
      %run_scoped3A = tpu.sem_alloc : memref<!tpu.dma_semaphore, #tpu.memory_space<semaphore_mem>>
      tpu.enqueue_dma source(%arg6 : memref<10240xf32, #tpu.memory_space<hbm>>) target(%arg13 : memref<10240xf32, #tpu.memory_space<vmem>>) target_semaphore(%run_scoped3A : memref<!tpu.dma_semaphore, #tpu.memory_space<semaphore_mem>>)
      tpu.wait_dma2 semaphore(%run_scoped3A : memref<!tpu.dma_semaphore, #tpu.memory_space<semaphore_mem>>) src(%arg6 : memref<10240xf32, #tpu.memory_space<hbm>>) dst(%arg13 : memref<10240xf32, #tpu.memory_space<vmem>>)
      tpu.yield
    }) : () -> ()
    %add3A_152 = arith.constant 0 : i32
    %add3A_153 = arith.addi %mul3A_4, %add3A_152 : i32
    "tpu.region"() ({
      %run_scoped3A = tpu.sem_alloc : memref<!tpu.dma_semaphore, #tpu.memory_space<semaphore_mem>>
      %dma_start3A_205 = arith.constant 0 : i32
      %dma_start3A_206 = tpu.memref_slice %arg14[%add3A_153, %dma_start3A_205] : memref<10240x128xf32, #tpu.memory_space<vmem_shared>> -> memref<40x128xf32, #tpu.memory_space<vmem_shared>>
      %dma_start3A_207 = arith.constant 0 : i32
      %dma_start3A_208 = tpu.memref_slice %arg14[%add3A_153, %dma_start3A_207] : memref<10240x128xf32, #tpu.memory_space<vmem_shared>> -> memref<40x128xf32, #tpu.memory_space<vmem_shared>>
      tpu.enqueue_dma source(%arg12 : memref<40x128xf32, #tpu.memory_space<vmem>>) target(%dma_start3A_208 : memref<40x128xf32, #tpu.memory_space<vmem_shared>>) target_semaphore(%run_scoped3A : memref<!tpu.dma_semaphore, #tpu.memory_space<semaphore_mem>>)
      %dma_wait3A_209 = arith.constant 0 : i32
      %dma_wait3A_210 = tpu.memref_slice %arg14[%add3A_153, %dma_wait3A_209] : memref<10240x128xf32, #tpu.memory_space<vmem_shared>> -> memref<40x128xf32, #tpu.memory_space<vmem_shared>>
      %dma_wait3A_211 = arith.constant 0 : i32
      %dma_wait3A_212 = tpu.memref_slice %arg14[%add3A_153, %dma_wait3A_211] : memref<10240x128xf32, #tpu.memory_space<vmem_shared>> -> memref<40x128xf32, #tpu.memory_space<vmem_shared>>
      tpu.wait_dma2 semaphore(%run_scoped3A : memref<!tpu.dma_semaphore, #tpu.memory_space<semaphore_mem>>) src(%arg12 : memref<40x128xf32, #tpu.memory_space<vmem>>) dst(%dma_wait3A_212 : memref<40x128xf32, #tpu.memory_space<vmem_shared>>)
      tpu.yield
    }) : () -> ()
    %add3A_154 = arith.constant 40 : i32
    %add3A_155 = arith.addi %mul3A_4, %add3A_154 : i32
    "tpu.region"() ({
      %run_scoped3A = tpu.sem_alloc : memref<!tpu.dma_semaphore, #tpu.memory_space<semaphore_mem>>
      %dma_start3A_205 = arith.constant 0 : i32
      %dma_start3A_206 = tpu.memref_slice %arg14[%add3A_155, %dma_start3A_205] : memref<10240x128xf32, #tpu.memory_space<vmem_shared>> -> memref<40x128xf32, #tpu.memory_space<vmem_shared>>
      %dma_start3A_207 = arith.constant 0 : i32
      %dma_start3A_208 = tpu.memref_slice %arg14[%add3A_155, %dma_start3A_207] : memref<10240x128xf32, #tpu.memory_space<vmem_shared>> -> memref<40x128xf32, #tpu.memory_space<vmem_shared>>
      tpu.enqueue_dma source(%arg12 : memref<40x128xf32, #tpu.memory_space<vmem>>) target(%dma_start3A_208 : memref<40x128xf32, #tpu.memory_space<vmem_shared>>) target_semaphore(%run_scoped3A : memref<!tpu.dma_semaphore, #tpu.memory_space<semaphore_mem>>)
      %dma_wait3A_209 = arith.constant 0 : i32
      %dma_wait3A_210 = tpu.memref_slice %arg14[%add3A_155, %dma_wait3A_209] : memref<10240x128xf32, #tpu.memory_space<vmem_shared>> -> memref<40x128xf32, #tpu.memory_space<vmem_shared>>
      %dma_wait3A_211 = arith.constant 0 : i32
      %dma_wait3A_212 = tpu.memref_slice %arg14[%add3A_155, %dma_wait3A_211] : memref<10240x128xf32, #tpu.memory_space<vmem_shared>> -> memref<40x128xf32, #tpu.memory_space<vmem_shared>>
      tpu.wait_dma2 semaphore(%run_scoped3A : memref<!tpu.dma_semaphore, #tpu.memory_space<semaphore_mem>>) src(%arg12 : memref<40x128xf32, #tpu.memory_space<vmem>>) dst(%dma_wait3A_212 : memref<40x128xf32, #tpu.memory_space<vmem_shared>>)
      tpu.yield
    }) : () -> ()
    %add3A_156 = arith.constant 80 : i32
    %add3A_157 = arith.addi %mul3A_4, %add3A_156 : i32
    "tpu.region"() ({
      %run_scoped3A = tpu.sem_alloc : memref<!tpu.dma_semaphore, #tpu.memory_space<semaphore_mem>>
      %dma_start3A_205 = arith.constant 0 : i32
      %dma_start3A_206 = tpu.memref_slice %arg14[%add3A_157, %dma_start3A_205] : memref<10240x128xf32, #tpu.memory_space<vmem_shared>> -> memref<40x128xf32, #tpu.memory_space<vmem_shared>>
      %dma_start3A_207 = arith.constant 0 : i32
      %dma_start3A_208 = tpu.memref_slice %arg14[%add3A_157, %dma_start3A_207] : memref<10240x128xf32, #tpu.memory_space<vmem_shared>> -> memref<40x128xf32, #tpu.memory_space<vmem_shared>>
      tpu.enqueue_dma source(%arg12 : memref<40x128xf32, #tpu.memory_space<vmem>>) target(%dma_start3A_208 : memref<40x128xf32, #tpu.memory_space<vmem_shared>>) target_semaphore(%run_scoped3A : memref<!tpu.dma_semaphore, #tpu.memory_space<semaphore_mem>>)
      %dma_wait3A_209 = arith.constant 0 : i32
      %dma_wait3A_210 = tpu.memref_slice %arg14[%add3A_157, %dma_wait3A_209] : memref<10240x128xf32, #tpu.memory_space<vmem_shared>> -> memref<40x128xf32, #tpu.memory_space<vmem_shared>>
      %dma_wait3A_211 = arith.constant 0 : i32
      %dma_wait3A_212 = tpu.memref_slice %arg14[%add3A_157, %dma_wait3A_211] : memref<10240x128xf32, #tpu.memory_space<vmem_shared>> -> memref<40x128xf32, #tpu.memory_space<vmem_shared>>
      tpu.wait_dma2 semaphore(%run_scoped3A : memref<!tpu.dma_semaphore, #tpu.memory_space<semaphore_mem>>) src(%arg12 : memref<40x128xf32, #tpu.memory_space<vmem>>) dst(%dma_wait3A_212 : memref<40x128xf32, #tpu.memory_space<vmem_shared>>)
      tpu.yield
    }) : () -> ()
    %add3A_158 = arith.constant 120 : i32
    %add3A_159 = arith.addi %mul3A_4, %add3A_158 : i32
    "tpu.region"() ({
      %run_scoped3A = tpu.sem_alloc : memref<!tpu.dma_semaphore, #tpu.memory_space<semaphore_mem>>
      %dma_start3A_205 = arith.constant 0 : i32
      %dma_start3A_206 = tpu.memref_slice %arg14[%add3A_159, %dma_start3A_205] : memref<10240x128xf32, #tpu.memory_space<vmem_shared>> -> memref<40x128xf32, #tpu.memory_space<vmem_shared>>
      %dma_start3A_207 = arith.constant 0 : i32
      %dma_start3A_208 = tpu.memref_slice %arg14[%add3A_159, %dma_start3A_207] : memref<10240x128xf32, #tpu.memory_space<vmem_shared>> -> memref<40x128xf32, #tpu.memory_space<vmem_shared>>
      tpu.enqueue_dma source(%arg12 : memref<40x128xf32, #tpu.memory_space<vmem>>) target(%dma_start3A_208 : memref<40x128xf32, #tpu.memory_space<vmem_shared>>) target_semaphore(%run_scoped3A : memref<!tpu.dma_semaphore, #tpu.memory_space<semaphore_mem>>)
      %dma_wait3A_209 = arith.constant 0 : i32
      %dma_wait3A_210 = tpu.memref_slice %arg14[%add3A_159, %dma_wait3A_209] : memref<10240x128xf32, #tpu.memory_space<vmem_shared>> -> memref<40x128xf32, #tpu.memory_space<vmem_shared>>
      %dma_wait3A_211 = arith.constant 0 : i32
      %dma_wait3A_212 = tpu.memref_slice %arg14[%add3A_159, %dma_wait3A_211] : memref<10240x128xf32, #tpu.memory_space<vmem_shared>> -> memref<40x128xf32, #tpu.memory_space<vmem_shared>>
      tpu.wait_dma2 semaphore(%run_scoped3A : memref<!tpu.dma_semaphore, #tpu.memory_space<semaphore_mem>>) src(%arg12 : memref<40x128xf32, #tpu.memory_space<vmem>>) dst(%dma_wait3A_212 : memref<40x128xf32, #tpu.memory_space<vmem_shared>>)
      tpu.yield
    }) : () -> ()
    %add3A_160 = arith.constant 160 : i32
    %add3A_161 = arith.addi %mul3A_4, %add3A_160 : i32
    "tpu.region"() ({
      %run_scoped3A = tpu.sem_alloc : memref<!tpu.dma_semaphore, #tpu.memory_space<semaphore_mem>>
      %dma_start3A_205 = arith.constant 0 : i32
      %dma_start3A_206 = tpu.memref_slice %arg14[%add3A_161, %dma_start3A_205] : memref<10240x128xf32, #tpu.memory_space<vmem_shared>> -> memref<40x128xf32, #tpu.memory_space<vmem_shared>>
      %dma_start3A_207 = arith.constant 0 : i32
      %dma_start3A_208 = tpu.memref_slice %arg14[%add3A_161, %dma_start3A_207] : memref<10240x128xf32, #tpu.memory_space<vmem_shared>> -> memref<40x128xf32, #tpu.memory_space<vmem_shared>>
      tpu.enqueue_dma source(%arg12 : memref<40x128xf32, #tpu.memory_space<vmem>>) target(%dma_start3A_208 : memref<40x128xf32, #tpu.memory_space<vmem_shared>>) target_semaphore(%run_scoped3A : memref<!tpu.dma_semaphore, #tpu.memory_space<semaphore_mem>>)
      %dma_wait3A_209 = arith.constant 0 : i32
      %dma_wait3A_210 = tpu.memref_slice %arg14[%add3A_161, %dma_wait3A_209] : memref<10240x128xf32, #tpu.memory_space<vmem_shared>> -> memref<40x128xf32, #tpu.memory_space<vmem_shared>>
      %dma_wait3A_211 = arith.constant 0 : i32
      %dma_wait3A_212 = tpu.memref_slice %arg14[%add3A_161, %dma_wait3A_211] : memref<10240x128xf32, #tpu.memory_space<vmem_shared>> -> memref<40x128xf32, #tpu.memory_space<vmem_shared>>
      tpu.wait_dma2 semaphore(%run_scoped3A : memref<!tpu.dma_semaphore, #tpu.memory_space<semaphore_mem>>) src(%arg12 : memref<40x128xf32, #tpu.memory_space<vmem>>) dst(%dma_wait3A_212 : memref<40x128xf32, #tpu.memory_space<vmem_shared>>)
      tpu.yield
    }) : () -> ()
    %add3A_162 = arith.constant 200 : i32
    %add3A_163 = arith.addi %mul3A_4, %add3A_162 : i32
    "tpu.region"() ({
      %run_scoped3A = tpu.sem_alloc : memref<!tpu.dma_semaphore, #tpu.memory_space<semaphore_mem>>
      %dma_start3A_205 = arith.constant 0 : i32
      %dma_start3A_206 = tpu.memref_slice %arg14[%add3A_163, %dma_start3A_205] : memref<10240x128xf32, #tpu.memory_space<vmem_shared>> -> memref<40x128xf32, #tpu.memory_space<vmem_shared>>
      %dma_start3A_207 = arith.constant 0 : i32
      %dma_start3A_208 = tpu.memref_slice %arg14[%add3A_163, %dma_start3A_207] : memref<10240x128xf32, #tpu.memory_space<vmem_shared>> -> memref<40x128xf32, #tpu.memory_space<vmem_shared>>
      tpu.enqueue_dma source(%arg12 : memref<40x128xf32, #tpu.memory_space<vmem>>) target(%dma_start3A_208 : memref<40x128xf32, #tpu.memory_space<vmem_shared>>) target_semaphore(%run_scoped3A : memref<!tpu.dma_semaphore, #tpu.memory_space<semaphore_mem>>)
      %dma_wait3A_209 = arith.constant 0 : i32
      %dma_wait3A_210 = tpu.memref_slice %arg14[%add3A_163, %dma_wait3A_209] : memref<10240x128xf32, #tpu.memory_space<vmem_shared>> -> memref<40x128xf32, #tpu.memory_space<vmem_shared>>
      %dma_wait3A_211 = arith.constant 0 : i32
      %dma_wait3A_212 = tpu.memref_slice %arg14[%add3A_163, %dma_wait3A_211] : memref<10240x128xf32, #tpu.memory_space<vmem_shared>> -> memref<40x128xf32, #tpu.memory_space<vmem_shared>>
      tpu.wait_dma2 semaphore(%run_scoped3A : memref<!tpu.dma_semaphore, #tpu.memory_space<semaphore_mem>>) src(%arg12 : memref<40x128xf32, #tpu.memory_space<vmem>>) dst(%dma_wait3A_212 : memref<40x128xf32, #tpu.memory_space<vmem_shared>>)
      tpu.yield
    }) : () -> ()
    %add3A_164 = arith.constant 240 : i32
    %add3A_165 = arith.addi %mul3A_4, %add3A_164 : i32
    "tpu.region"() ({
      %run_scoped3A = tpu.sem_alloc : memref<!tpu.dma_semaphore, #tpu.memory_space<semaphore_mem>>
      %dma_start3A_205 = arith.constant 0 : i32
      %dma_start3A_206 = tpu.memref_slice %arg14[%add3A_165, %dma_start3A_205] : memref<10240x128xf32, #tpu.memory_space<vmem_shared>> -> memref<40x128xf32, #tpu.memory_space<vmem_shared>>
      %dma_start3A_207 = arith.constant 0 : i32
      %dma_start3A_208 = tpu.memref_slice %arg14[%add3A_165, %dma_start3A_207] : memref<10240x128xf32, #tpu.memory_space<vmem_shared>> -> memref<40x128xf32, #tpu.memory_space<vmem_shared>>
      tpu.enqueue_dma source(%arg12 : memref<40x128xf32, #tpu.memory_space<vmem>>) target(%dma_start3A_208 : memref<40x128xf32, #tpu.memory_space<vmem_shared>>) target_semaphore(%run_scoped3A : memref<!tpu.dma_semaphore, #tpu.memory_space<semaphore_mem>>)
      %dma_wait3A_209 = arith.constant 0 : i32
      %dma_wait3A_210 = tpu.memref_slice %arg14[%add3A_165, %dma_wait3A_209] : memref<10240x128xf32, #tpu.memory_space<vmem_shared>> -> memref<40x128xf32, #tpu.memory_space<vmem_shared>>
      %dma_wait3A_211 = arith.constant 0 : i32
      %dma_wait3A_212 = tpu.memref_slice %arg14[%add3A_165, %dma_wait3A_211] : memref<10240x128xf32, #tpu.memory_space<vmem_shared>> -> memref<40x128xf32, #tpu.memory_space<vmem_shared>>
      tpu.wait_dma2 semaphore(%run_scoped3A : memref<!tpu.dma_semaphore, #tpu.memory_space<semaphore_mem>>) src(%arg12 : memref<40x128xf32, #tpu.memory_space<vmem>>) dst(%dma_wait3A_212 : memref<40x128xf32, #tpu.memory_space<vmem_shared>>)
      tpu.yield
    }) : () -> ()
    %add3A_166 = arith.constant 280 : i32
    %add3A_167 = arith.addi %mul3A_4, %add3A_166 : i32
    "tpu.region"() ({
      %run_scoped3A = tpu.sem_alloc : memref<!tpu.dma_semaphore, #tpu.memory_space<semaphore_mem>>
      %dma_start3A_205 = arith.constant 0 : i32
      %dma_start3A_206 = tpu.memref_slice %arg14[%add3A_167, %dma_start3A_205] : memref<10240x128xf32, #tpu.memory_space<vmem_shared>> -> memref<40x128xf32, #tpu.memory_space<vmem_shared>>
      %dma_start3A_207 = arith.constant 0 : i32
      %dma_start3A_208 = tpu.memref_slice %arg14[%add3A_167, %dma_start3A_207] : memref<10240x128xf32, #tpu.memory_space<vmem_shared>> -> memref<40x128xf32, #tpu.memory_space<vmem_shared>>
      tpu.enqueue_dma source(%arg12 : memref<40x128xf32, #tpu.memory_space<vmem>>) target(%dma_start3A_208 : memref<40x128xf32, #tpu.memory_space<vmem_shared>>) target_semaphore(%run_scoped3A : memref<!tpu.dma_semaphore, #tpu.memory_space<semaphore_mem>>)
      %dma_wait3A_209 = arith.constant 0 : i32
      %dma_wait3A_210 = tpu.memref_slice %arg14[%add3A_167, %dma_wait3A_209] : memref<10240x128xf32, #tpu.memory_space<vmem_shared>> -> memref<40x128xf32, #tpu.memory_space<vmem_shared>>
      %dma_wait3A_211 = arith.constant 0 : i32
      %dma_wait3A_212 = tpu.memref_slice %arg14[%add3A_167, %dma_wait3A_211] : memref<10240x128xf32, #tpu.memory_space<vmem_shared>> -> memref<40x128xf32, #tpu.memory_space<vmem_shared>>
      tpu.wait_dma2 semaphore(%run_scoped3A : memref<!tpu.dma_semaphore, #tpu.memory_space<semaphore_mem>>) src(%arg12 : memref<40x128xf32, #tpu.memory_space<vmem>>) dst(%dma_wait3A_212 : memref<40x128xf32, #tpu.memory_space<vmem_shared>>)
      tpu.yield
    }) : () -> ()
    %add3A_168 = arith.constant 320 : i32
    %add3A_169 = arith.addi %mul3A_4, %add3A_168 : i32
    "tpu.region"() ({
      %run_scoped3A = tpu.sem_alloc : memref<!tpu.dma_semaphore, #tpu.memory_space<semaphore_mem>>
      %dma_start3A_205 = arith.constant 0 : i32
      %dma_start3A_206 = tpu.memref_slice %arg14[%add3A_169, %dma_start3A_205] : memref<10240x128xf32, #tpu.memory_space<vmem_shared>> -> memref<40x128xf32, #tpu.memory_space<vmem_shared>>
      %dma_start3A_207 = arith.constant 0 : i32
      %dma_start3A_208 = tpu.memref_slice %arg14[%add3A_169, %dma_start3A_207] : memref<10240x128xf32, #tpu.memory_space<vmem_shared>> -> memref<40x128xf32, #tpu.memory_space<vmem_shared>>
      tpu.enqueue_dma source(%arg12 : memref<40x128xf32, #tpu.memory_space<vmem>>) target(%dma_start3A_208 : memref<40x128xf32, #tpu.memory_space<vmem_shared>>) target_semaphore(%run_scoped3A : memref<!tpu.dma_semaphore, #tpu.memory_space<semaphore_mem>>)
      %dma_wait3A_209 = arith.constant 0 : i32
      %dma_wait3A_210 = tpu.memref_slice %arg14[%add3A_169, %dma_wait3A_209] : memref<10240x128xf32, #tpu.memory_space<vmem_shared>> -> memref<40x128xf32, #tpu.memory_space<vmem_shared>>
      %dma_wait3A_211 = arith.constant 0 : i32
      %dma_wait3A_212 = tpu.memref_slice %arg14[%add3A_169, %dma_wait3A_211] : memref<10240x128xf32, #tpu.memory_space<vmem_shared>> -> memref<40x128xf32, #tpu.memory_space<vmem_shared>>
      tpu.wait_dma2 semaphore(%run_scoped3A : memref<!tpu.dma_semaphore, #tpu.memory_space<semaphore_mem>>) src(%arg12 : memref<40x128xf32, #tpu.memory_space<vmem>>) dst(%dma_wait3A_212 : memref<40x128xf32, #tpu.memory_space<vmem_shared>>)
      tpu.yield
    }) : () -> ()
    %add3A_170 = arith.constant 360 : i32
    %add3A_171 = arith.addi %mul3A_4, %add3A_170 : i32
    "tpu.region"() ({
      %run_scoped3A = tpu.sem_alloc : memref<!tpu.dma_semaphore, #tpu.memory_space<semaphore_mem>>
      %dma_start3A_205 = arith.constant 0 : i32
      %dma_start3A_206 = tpu.memref_slice %arg14[%add3A_171, %dma_start3A_205] : memref<10240x128xf32, #tpu.memory_space<vmem_shared>> -> memref<40x128xf32, #tpu.memory_space<vmem_shared>>
      %dma_start3A_207 = arith.constant 0 : i32
      %dma_start3A_208 = tpu.memref_slice %arg14[%add3A_171, %dma_start3A_207] : memref<10240x128xf32, #tpu.memory_space<vmem_shared>> -> memref<40x128xf32, #tpu.memory_space<vmem_shared>>
      tpu.enqueue_dma source(%arg12 : memref<40x128xf32, #tpu.memory_space<vmem>>) target(%dma_start3A_208 : memref<40x128xf32, #tpu.memory_space<vmem_shared>>) target_semaphore(%run_scoped3A : memref<!tpu.dma_semaphore, #tpu.memory_space<semaphore_mem>>)
      %dma_wait3A_209 = arith.constant 0 : i32
      %dma_wait3A_210 = tpu.memref_slice %arg14[%add3A_171, %dma_wait3A_209] : memref<10240x128xf32, #tpu.memory_space<vmem_shared>> -> memref<40x128xf32, #tpu.memory_space<vmem_shared>>
      %dma_wait3A_211 = arith.constant 0 : i32
      %dma_wait3A_212 = tpu.memref_slice %arg14[%add3A_171, %dma_wait3A_211] : memref<10240x128xf32, #tpu.memory_space<vmem_shared>> -> memref<40x128xf32, #tpu.memory_space<vmem_shared>>
      tpu.wait_dma2 semaphore(%run_scoped3A : memref<!tpu.dma_semaphore, #tpu.memory_space<semaphore_mem>>) src(%arg12 : memref<40x128xf32, #tpu.memory_space<vmem>>) dst(%dma_wait3A_212 : memref<40x128xf32, #tpu.memory_space<vmem_shared>>)
      tpu.yield
    }) : () -> ()
    %add3A_172 = arith.constant 400 : i32
    %add3A_173 = arith.addi %mul3A_4, %add3A_172 : i32
    "tpu.region"() ({
      %run_scoped3A = tpu.sem_alloc : memref<!tpu.dma_semaphore, #tpu.memory_space<semaphore_mem>>
      %dma_start3A_205 = arith.constant 0 : i32
      %dma_start3A_206 = tpu.memref_slice %arg14[%add3A_173, %dma_start3A_205] : memref<10240x128xf32, #tpu.memory_space<vmem_shared>> -> memref<40x128xf32, #tpu.memory_space<vmem_shared>>
      %dma_start3A_207 = arith.constant 0 : i32
      %dma_start3A_208 = tpu.memref_slice %arg14[%add3A_173, %dma_start3A_207] : memref<10240x128xf32, #tpu.memory_space<vmem_shared>> -> memref<40x128xf32, #tpu.memory_space<vmem_shared>>
      tpu.enqueue_dma source(%arg12 : memref<40x128xf32, #tpu.memory_space<vmem>>) target(%dma_start3A_208 : memref<40x128xf32, #tpu.memory_space<vmem_shared>>) target_semaphore(%run_scoped3A : memref<!tpu.dma_semaphore, #tpu.memory_space<semaphore_mem>>)
      %dma_wait3A_209 = arith.constant 0 : i32
      %dma_wait3A_210 = tpu.memref_slice %arg14[%add3A_173, %dma_wait3A_209] : memref<10240x128xf32, #tpu.memory_space<vmem_shared>> -> memref<40x128xf32, #tpu.memory_space<vmem_shared>>
      %dma_wait3A_211 = arith.constant 0 : i32
      %dma_wait3A_212 = tpu.memref_slice %arg14[%add3A_173, %dma_wait3A_211] : memref<10240x128xf32, #tpu.memory_space<vmem_shared>> -> memref<40x128xf32, #tpu.memory_space<vmem_shared>>
      tpu.wait_dma2 semaphore(%run_scoped3A : memref<!tpu.dma_semaphore, #tpu.memory_space<semaphore_mem>>) src(%arg12 : memref<40x128xf32, #tpu.memory_space<vmem>>) dst(%dma_wait3A_212 : memref<40x128xf32, #tpu.memory_space<vmem_shared>>)
      tpu.yield
    }) : () -> ()
    %add3A_174 = arith.constant 440 : i32
    %add3A_175 = arith.addi %mul3A_4, %add3A_174 : i32
    "tpu.region"() ({
      %run_scoped3A = tpu.sem_alloc : memref<!tpu.dma_semaphore, #tpu.memory_space<semaphore_mem>>
      %dma_start3A_205 = arith.constant 0 : i32
      %dma_start3A_206 = tpu.memref_slice %arg14[%add3A_175, %dma_start3A_205] : memref<10240x128xf32, #tpu.memory_space<vmem_shared>> -> memref<40x128xf32, #tpu.memory_space<vmem_shared>>
      %dma_start3A_207 = arith.constant 0 : i32
      %dma_start3A_208 = tpu.memref_slice %arg14[%add3A_175, %dma_start3A_207] : memref<10240x128xf32, #tpu.memory_space<vmem_shared>> -> memref<40x128xf32, #tpu.memory_space<vmem_shared>>
      tpu.enqueue_dma source(%arg12 : memref<40x128xf32, #tpu.memory_space<vmem>>) target(%dma_start3A_208 : memref<40x128xf32, #tpu.memory_space<vmem_shared>>) target_semaphore(%run_scoped3A : memref<!tpu.dma_semaphore, #tpu.memory_space<semaphore_mem>>)
      %dma_wait3A_209 = arith.constant 0 : i32
      %dma_wait3A_210 = tpu.memref_slice %arg14[%add3A_175, %dma_wait3A_209] : memref<10240x128xf32, #tpu.memory_space<vmem_shared>> -> memref<40x128xf32, #tpu.memory_space<vmem_shared>>
      %dma_wait3A_211 = arith.constant 0 : i32
      %dma_wait3A_212 = tpu.memref_slice %arg14[%add3A_175, %dma_wait3A_211] : memref<10240x128xf32, #tpu.memory_space<vmem_shared>> -> memref<40x128xf32, #tpu.memory_space<vmem_shared>>
      tpu.wait_dma2 semaphore(%run_scoped3A : memref<!tpu.dma_semaphore, #tpu.memory_space<semaphore_mem>>) src(%arg12 : memref<40x128xf32, #tpu.memory_space<vmem>>) dst(%dma_wait3A_212 : memref<40x128xf32, #tpu.memory_space<vmem_shared>>)
      tpu.yield
    }) : () -> ()
    %add3A_176 = arith.constant 480 : i32
    %add3A_177 = arith.addi %mul3A_4, %add3A_176 : i32
    "tpu.region"() ({
      %run_scoped3A = tpu.sem_alloc : memref<!tpu.dma_semaphore, #tpu.memory_space<semaphore_mem>>
      %dma_start3A_205 = arith.constant 0 : i32
      %dma_start3A_206 = tpu.memref_slice %arg14[%add3A_177, %dma_start3A_205] : memref<10240x128xf32, #tpu.memory_space<vmem_shared>> -> memref<40x128xf32, #tpu.memory_space<vmem_shared>>
      %dma_start3A_207 = arith.constant 0 : i32
      %dma_start3A_208 = tpu.memref_slice %arg14[%add3A_177, %dma_start3A_207] : memref<10240x128xf32, #tpu.memory_space<vmem_shared>> -> memref<40x128xf32, #tpu.memory_space<vmem_shared>>
      tpu.enqueue_dma source(%arg12 : memref<40x128xf32, #tpu.memory_space<vmem>>) target(%dma_start3A_208 : memref<40x128xf32, #tpu.memory_space<vmem_shared>>) target_semaphore(%run_scoped3A : memref<!tpu.dma_semaphore, #tpu.memory_space<semaphore_mem>>)
      %dma_wait3A_209 = arith.constant 0 : i32
      %dma_wait3A_210 = tpu.memref_slice %arg14[%add3A_177, %dma_wait3A_209] : memref<10240x128xf32, #tpu.memory_space<vmem_shared>> -> memref<40x128xf32, #tpu.memory_space<vmem_shared>>
      %dma_wait3A_211 = arith.constant 0 : i32
      %dma_wait3A_212 = tpu.memref_slice %arg14[%add3A_177, %dma_wait3A_211] : memref<10240x128xf32, #tpu.memory_space<vmem_shared>> -> memref<40x128xf32, #tpu.memory_space<vmem_shared>>
      tpu.wait_dma2 semaphore(%run_scoped3A : memref<!tpu.dma_semaphore, #tpu.memory_space<semaphore_mem>>) src(%arg12 : memref<40x128xf32, #tpu.memory_space<vmem>>) dst(%dma_wait3A_212 : memref<40x128xf32, #tpu.memory_space<vmem_shared>>)
      tpu.yield
    }) : () -> ()
    %add3A_178 = arith.constant 520 : i32
    %add3A_179 = arith.addi %mul3A_4, %add3A_178 : i32
    "tpu.region"() ({
      %run_scoped3A = tpu.sem_alloc : memref<!tpu.dma_semaphore, #tpu.memory_space<semaphore_mem>>
      %dma_start3A_205 = arith.constant 0 : i32
      %dma_start3A_206 = tpu.memref_slice %arg14[%add3A_179, %dma_start3A_205] : memref<10240x128xf32, #tpu.memory_space<vmem_shared>> -> memref<40x128xf32, #tpu.memory_space<vmem_shared>>
      %dma_start3A_207 = arith.constant 0 : i32
      %dma_start3A_208 = tpu.memref_slice %arg14[%add3A_179, %dma_start3A_207] : memref<10240x128xf32, #tpu.memory_space<vmem_shared>> -> memref<40x128xf32, #tpu.memory_space<vmem_shared>>
      tpu.enqueue_dma source(%arg12 : memref<40x128xf32, #tpu.memory_space<vmem>>) target(%dma_start3A_208 : memref<40x128xf32, #tpu.memory_space<vmem_shared>>) target_semaphore(%run_scoped3A : memref<!tpu.dma_semaphore, #tpu.memory_space<semaphore_mem>>)
      %dma_wait3A_209 = arith.constant 0 : i32
      %dma_wait3A_210 = tpu.memref_slice %arg14[%add3A_179, %dma_wait3A_209] : memref<10240x128xf32, #tpu.memory_space<vmem_shared>> -> memref<40x128xf32, #tpu.memory_space<vmem_shared>>
      %dma_wait3A_211 = arith.constant 0 : i32
      %dma_wait3A_212 = tpu.memref_slice %arg14[%add3A_179, %dma_wait3A_211] : memref<10240x128xf32, #tpu.memory_space<vmem_shared>> -> memref<40x128xf32, #tpu.memory_space<vmem_shared>>
      tpu.wait_dma2 semaphore(%run_scoped3A : memref<!tpu.dma_semaphore, #tpu.memory_space<semaphore_mem>>) src(%arg12 : memref<40x128xf32, #tpu.memory_space<vmem>>) dst(%dma_wait3A_212 : memref<40x128xf32, #tpu.memory_space<vmem_shared>>)
      tpu.yield
    }) : () -> ()
    %add3A_180 = arith.constant 560 : i32
    %add3A_181 = arith.addi %mul3A_4, %add3A_180 : i32
    "tpu.region"() ({
      %run_scoped3A = tpu.sem_alloc : memref<!tpu.dma_semaphore, #tpu.memory_space<semaphore_mem>>
      %dma_start3A_205 = arith.constant 0 : i32
      %dma_start3A_206 = tpu.memref_slice %arg14[%add3A_181, %dma_start3A_205] : memref<10240x128xf32, #tpu.memory_space<vmem_shared>> -> memref<40x128xf32, #tpu.memory_space<vmem_shared>>
      %dma_start3A_207 = arith.constant 0 : i32
      %dma_start3A_208 = tpu.memref_slice %arg14[%add3A_181, %dma_start3A_207] : memref<10240x128xf32, #tpu.memory_space<vmem_shared>> -> memref<40x128xf32, #tpu.memory_space<vmem_shared>>
      tpu.enqueue_dma source(%arg12 : memref<40x128xf32, #tpu.memory_space<vmem>>) target(%dma_start3A_208 : memref<40x128xf32, #tpu.memory_space<vmem_shared>>) target_semaphore(%run_scoped3A : memref<!tpu.dma_semaphore, #tpu.memory_space<semaphore_mem>>)
      %dma_wait3A_209 = arith.constant 0 : i32
      %dma_wait3A_210 = tpu.memref_slice %arg14[%add3A_181, %dma_wait3A_209] : memref<10240x128xf32, #tpu.memory_space<vmem_shared>> -> memref<40x128xf32, #tpu.memory_space<vmem_shared>>
      %dma_wait3A_211 = arith.constant 0 : i32
      %dma_wait3A_212 = tpu.memref_slice %arg14[%add3A_181, %dma_wait3A_211] : memref<10240x128xf32, #tpu.memory_space<vmem_shared>> -> memref<40x128xf32, #tpu.memory_space<vmem_shared>>
      tpu.wait_dma2 semaphore(%run_scoped3A : memref<!tpu.dma_semaphore, #tpu.memory_space<semaphore_mem>>) src(%arg12 : memref<40x128xf32, #tpu.memory_space<vmem>>) dst(%dma_wait3A_212 : memref<40x128xf32, #tpu.memory_space<vmem_shared>>)
      tpu.yield
    }) : () -> ()
    %add3A_182 = arith.constant 600 : i32
    %add3A_183 = arith.addi %mul3A_4, %add3A_182 : i32
    "tpu.region"() ({
      %run_scoped3A = tpu.sem_alloc : memref<!tpu.dma_semaphore, #tpu.memory_space<semaphore_mem>>
      %dma_start3A_205 = arith.constant 0 : i32
      %dma_start3A_206 = tpu.memref_slice %arg14[%add3A_183, %dma_start3A_205] : memref<10240x128xf32, #tpu.memory_space<vmem_shared>> -> memref<40x128xf32, #tpu.memory_space<vmem_shared>>
      %dma_start3A_207 = arith.constant 0 : i32
      %dma_start3A_208 = tpu.memref_slice %arg14[%add3A_183, %dma_start3A_207] : memref<10240x128xf32, #tpu.memory_space<vmem_shared>> -> memref<40x128xf32, #tpu.memory_space<vmem_shared>>
      tpu.enqueue_dma source(%arg12 : memref<40x128xf32, #tpu.memory_space<vmem>>) target(%dma_start3A_208 : memref<40x128xf32, #tpu.memory_space<vmem_shared>>) target_semaphore(%run_scoped3A : memref<!tpu.dma_semaphore, #tpu.memory_space<semaphore_mem>>)
      %dma_wait3A_209 = arith.constant 0 : i32
      %dma_wait3A_210 = tpu.memref_slice %arg14[%add3A_183, %dma_wait3A_209] : memref<10240x128xf32, #tpu.memory_space<vmem_shared>> -> memref<40x128xf32, #tpu.memory_space<vmem_shared>>
      %dma_wait3A_211 = arith.constant 0 : i32
      %dma_wait3A_212 = tpu.memref_slice %arg14[%add3A_183, %dma_wait3A_211] : memref<10240x128xf32, #tpu.memory_space<vmem_shared>> -> memref<40x128xf32, #tpu.memory_space<vmem_shared>>
      tpu.wait_dma2 semaphore(%run_scoped3A : memref<!tpu.dma_semaphore, #tpu.memory_space<semaphore_mem>>) src(%arg12 : memref<40x128xf32, #tpu.memory_space<vmem>>) dst(%dma_wait3A_212 : memref<40x128xf32, #tpu.memory_space<vmem_shared>>)
      tpu.yield
    }) : () -> ()
    %barrier3A = arith.constant 0 : index
    tpu.barrier barrier_id(%barrier3A)
    %scan3A = arith.constant 0 : i32
    %scan3A_184 = arith.constant 0 : i32
    %scan3A_185 = arith.constant 125 : i32
    %scan3A_186 = arith.addi %scan3A_184, %scan3A_185 : i32
    %scan3A_187 = arith.constant 1 : i32
    scf.for %scan3A_205 = %scan3A_184 to %scan3A_186 step %scan3A_187  : i32 {
      %rem3A = arith.constant 6 : i32
      %rem3A_206 = arith.remsi %scan3A_205, %rem3A : i32
      %eq3A = arith.constant 0 : i32
      %eq3A_207 = arith.cmpi eq, %rem3A_206, %eq3A : i32
      %convert_element_type3A = arith.extui %eq3A_207 : i1 to i32
      %cond3A = arith.constant 0 : i32
      %cond3A_208 = arith.cmpi ne, %convert_element_type3A, %cond3A : i32
      scf.if %cond3A_208 {
        %dma_wait3A_234 = arith.constant 0 : i32
        %dma_wait3A_235 = arith.constant 0 : i32
        %dma_wait3A_236 = arith.constant 0 : i32
        %dma_wait3A_237 = tpu.memref_slice %arg11[%dma_wait3A_234, %dma_wait3A_235, %dma_wait3A_236] : memref<3x80x128xf32, #tpu.memory_space<vmem>> -> memref<1x80x128xf32, #tpu.memory_space<vmem>>
        %dma_wait3A_238 = tpu.memref_squeeze %dma_wait3A_237 : memref<1x80x128xf32, #tpu.memory_space<vmem>> -> memref<80x128xf32, #tpu.memory_space<vmem>>
        %dma_wait3A_239 = arith.constant 0 : i32
        %dma_wait3A_240 = arith.constant 0 : i32
        %dma_wait3A_241 = tpu.memref_slice %arg2[%dma_wait3A_239, %dma_wait3A_240] : memref<10000x128xf32, #tpu.memory_space<hbm>> -> memref<80x128xf32, #tpu.memory_space<hbm>>
        %dma_wait3A_242 = arith.constant 0 : i32
        %dma_wait3A_243 = arith.constant 0 : i32
        %dma_wait3A_244 = tpu.memref_slice %arg11[%dma_wait3A_234, %dma_wait3A_242, %dma_wait3A_243] : memref<3x80x128xf32, #tpu.memory_space<vmem>> -> memref<1x80x128xf32, #tpu.memory_space<vmem>>
        %dma_wait3A_245 = tpu.memref_squeeze %dma_wait3A_244 : memref<1x80x128xf32, #tpu.memory_space<vmem>> -> memref<80x128xf32, #tpu.memory_space<vmem>>
        %dma_wait3A_246 = arith.constant 0 : i32
        %dma_wait3A_247 = arith.constant 0 : i32
        %dma_wait3A_248 = tpu.memref_slice %arg2[%dma_wait3A_246, %dma_wait3A_247] : memref<10000x128xf32, #tpu.memory_space<hbm>> -> memref<80x128xf32, #tpu.memory_space<hbm>>
        tpu.wait_dma2 semaphore(%arg15 : memref<!tpu.dma_semaphore, #tpu.memory_space<semaphore_mem>>) src(%dma_wait3A_248 : memref<80x128xf32, #tpu.memory_space<hbm>>) dst(%dma_wait3A_245 : memref<80x128xf32, #tpu.memory_space<vmem>>)
        %ge3A = arith.constant 1 : i32
        %ge3A_249 = arith.cmpi sge, %scan3A_205, %ge3A : i32
        %convert_element_type3A_250 = arith.extui %ge3A_249 : i1 to i32
        %cond3A_251 = arith.constant 0 : i32
        %cond3A_252 = arith.cmpi ne, %convert_element_type3A_250, %cond3A_251 : i32
        scf.if %cond3A_252 {
          %dma_wait3A_293 = arith.constant 2 : i32
          %dma_wait3A_294 = arith.constant 0 : i32
          %dma_wait3A_295 = arith.constant 0 : i32
          %dma_wait3A_296 = tpu.memref_slice %arg11[%dma_wait3A_293, %dma_wait3A_294, %dma_wait3A_295] : memref<3x80x128xf32, #tpu.memory_space<vmem>> -> memref<1x80x128xf32, #tpu.memory_space<vmem>>
          %dma_wait3A_297 = tpu.memref_squeeze %dma_wait3A_296 : memref<1x80x128xf32, #tpu.memory_space<vmem>> -> memref<80x128xf32, #tpu.memory_space<vmem>>
          %dma_wait3A_298 = arith.constant 0 : i32
          %dma_wait3A_299 = arith.constant 0 : i32
          %dma_wait3A_300 = tpu.memref_slice %arg14[%dma_wait3A_298, %dma_wait3A_299] : memref<10240x128xf32, #tpu.memory_space<vmem_shared>> -> memref<80x128xf32, #tpu.memory_space<vmem_shared>>
          %dma_wait3A_301 = arith.constant 0 : i32
          %dma_wait3A_302 = arith.constant 0 : i32
          %dma_wait3A_303 = tpu.memref_slice %arg14[%dma_wait3A_301, %dma_wait3A_302] : memref<10240x128xf32, #tpu.memory_space<vmem_shared>> -> memref<80x128xf32, #tpu.memory_space<vmem_shared>>
          %dma_wait3A_304 = arith.constant 0 : i32
          %dma_wait3A_305 = arith.constant 0 : i32
          %dma_wait3A_306 = tpu.memref_slice %arg11[%dma_wait3A_293, %dma_wait3A_304, %dma_wait3A_305] : memref<3x80x128xf32, #tpu.memory_space<vmem>> -> memref<1x80x128xf32, #tpu.memory_space<vmem>>
          %dma_wait3A_307 = tpu.memref_squeeze %dma_wait3A_306 : memref<1x80x128xf32, #tpu.memory_space<vmem>> -> memref<80x128xf32, #tpu.memory_space<vmem>>
          tpu.wait_dma2 semaphore(%arg26 : memref<!tpu.dma_semaphore, #tpu.memory_space<semaphore_mem>>) src(%dma_wait3A_307 : memref<80x128xf32, #tpu.memory_space<vmem>>) dst(%dma_wait3A_303 : memref<80x128xf32, #tpu.memory_space<vmem_shared>>)
        } else {
        }
        %lt3A = arith.constant 123 : i32
        %lt3A_253 = arith.cmpi slt, %scan3A_205, %lt3A : i32
        %convert_element_type3A_254 = arith.extui %lt3A_253 : i1 to i32
        %cond3A_255 = arith.constant 0 : i32
        %cond3A_256 = arith.cmpi ne, %convert_element_type3A_254, %cond3A_255 : i32
        scf.if %cond3A_256 {
          %dma_wait3A_293 = arith.constant 2 : i32
          %dma_wait3A_294 = arith.constant 0 : i32
          %dma_wait3A_295 = tpu.memref_slice %arg9[%dma_wait3A_293, %dma_wait3A_294] : memref<6x80xi32, #tpu.memory_space<vmem>> -> memref<1x80xi32, #tpu.memory_space<vmem>>
          %dma_wait3A_296 = tpu.memref_squeeze %dma_wait3A_295 : memref<1x80xi32, #tpu.memory_space<vmem>> -> memref<80xi32, #tpu.memory_space<vmem>>
          %dma_wait3A_297 = arith.constant 0 : i32
          %dma_wait3A_298 = tpu.memref_slice %arg3[%dma_wait3A_297] : memref<320000xi32, #tpu.memory_space<hbm>> -> memref<80xi32, #tpu.memory_space<hbm>>
          %dma_wait3A_299 = arith.constant 0 : i32
          %dma_wait3A_300 = tpu.memref_slice %arg9[%dma_wait3A_293, %dma_wait3A_299] : memref<6x80xi32, #tpu.memory_space<vmem>> -> memref<1x80xi32, #tpu.memory_space<vmem>>
          %dma_wait3A_301 = tpu.memref_squeeze %dma_wait3A_300 : memref<1x80xi32, #tpu.memory_space<vmem>> -> memref<80xi32, #tpu.memory_space<vmem>>
          %dma_wait3A_302 = arith.constant 0 : i32
          %dma_wait3A_303 = tpu.memref_slice %arg3[%dma_wait3A_302] : memref<320000xi32, #tpu.memory_space<hbm>> -> memref<80xi32, #tpu.memory_space<hbm>>
          tpu.wait_dma2 semaphore(%arg20 : memref<!tpu.dma_semaphore, #tpu.memory_space<semaphore_mem>>) src(%dma_wait3A_303 : memref<80xi32, #tpu.memory_space<hbm>>) dst(%dma_wait3A_301 : memref<80xi32, #tpu.memory_space<vmem>>)
          %dma_wait3A_304 = arith.constant 2 : i32
          %dma_wait3A_305 = arith.constant 0 : i32
          %dma_wait3A_306 = tpu.memref_slice %arg10[%dma_wait3A_304, %dma_wait3A_305] : memref<6x80xi32, #tpu.memory_space<vmem>> -> memref<1x80xi32, #tpu.memory_space<vmem>>
          %dma_wait3A_307 = tpu.memref_squeeze %dma_wait3A_306 : memref<1x80xi32, #tpu.memory_space<vmem>> -> memref<80xi32, #tpu.memory_space<vmem>>
          %dma_wait3A_308 = arith.constant 0 : i32
          %dma_wait3A_309 = tpu.memref_slice %arg4[%dma_wait3A_308] : memref<320000xi32, #tpu.memory_space<hbm>> -> memref<80xi32, #tpu.memory_space<hbm>>
          %dma_wait3A_310 = arith.constant 0 : i32
          %dma_wait3A_311 = tpu.memref_slice %arg10[%dma_wait3A_304, %dma_wait3A_310] : memref<6x80xi32, #tpu.memory_space<vmem>> -> memref<1x80xi32, #tpu.memory_space<vmem>>
          %dma_wait3A_312 = tpu.memref_squeeze %dma_wait3A_311 : memref<1x80xi32, #tpu.memory_space<vmem>> -> memref<80xi32, #tpu.memory_space<vmem>>
          %dma_wait3A_313 = arith.constant 0 : i32
          %dma_wait3A_314 = tpu.memref_slice %arg4[%dma_wait3A_313] : memref<320000xi32, #tpu.memory_space<hbm>> -> memref<80xi32, #tpu.memory_space<hbm>>
          tpu.wait_dma2 semaphore(%arg20 : memref<!tpu.dma_semaphore, #tpu.memory_space<semaphore_mem>>) src(%dma_wait3A_314 : memref<80xi32, #tpu.memory_space<hbm>>) dst(%dma_wait3A_312 : memref<80xi32, #tpu.memory_space<vmem>>)
          %dma_start3A_315 = arith.constant 2 : i32
          %dma_start3A_316 = arith.constant 2 : i32
          %dma_start3A_317 = arith.constant 0 : i32
          %dma_start3A_318 = arith.constant 0 : i32
          %dma_start3A_319 = tpu.memref_slice %arg11[%dma_start3A_316, %dma_start3A_317, %dma_start3A_318] : memref<3x80x128xf32, #tpu.memory_space<vmem>> -> memref<1x80x128xf32, #tpu.memory_space<vmem>>
          %dma_start3A_320 = tpu.memref_squeeze %dma_start3A_319 : memref<1x80x128xf32, #tpu.memory_space<vmem>> -> memref<80x128xf32, #tpu.memory_space<vmem>>
          %dma_start3A_321 = arith.constant 0 : i32
          %dma_start3A_322 = tpu.memref_slice %arg10[%dma_start3A_315, %dma_start3A_321] : memref<6x80xi32, #tpu.memory_space<vmem>> -> memref<1x80xi32, #tpu.memory_space<vmem>>
          %dma_start3A_323 = tpu.memref_squeeze %dma_start3A_322 : memref<1x80xi32, #tpu.memory_space<vmem>> -> memref<80xi32, #tpu.memory_space<vmem>>
          %dma_start3A_324 = arith.constant 0 : i32
          %dma_start3A_325 = arith.constant 0 : i32
          %dma_start3A_326 = tpu.memref_slice %arg2[%dma_start3A_324, %dma_start3A_325] : memref<10000x128xf32, #tpu.memory_space<hbm>> -> memref<10000x128xf32, #tpu.memory_space<hbm>>
          tpu.enqueue_indirect_dma source(%dma_start3A_326 : memref<10000x128xf32, #tpu.memory_space<hbm>>) target(%dma_start3A_320 : memref<80x128xf32, #tpu.memory_space<vmem>>) offsets(%dma_start3A_323 : memref<80xi32, #tpu.memory_space<vmem>>) semaphore(%arg17 : memref<!tpu.dma_semaphore, #tpu.memory_space<semaphore_mem>>)
        } else {
        }
        %dma_start3A_257 = arith.constant 0 : i32
        %dma_start3A_258 = arith.constant 0 : i32
        %dma_start3A_259 = arith.constant 0 : i32
        %dma_start3A_260 = arith.constant 0 : i32
        %dma_start3A_261 = tpu.memref_slice %arg11[%dma_start3A_257, %dma_start3A_259, %dma_start3A_260] : memref<3x80x128xf32, #tpu.memory_space<vmem>> -> memref<1x80x128xf32, #tpu.memory_space<vmem>>
        %dma_start3A_262 = tpu.memref_squeeze %dma_start3A_261 : memref<1x80x128xf32, #tpu.memory_space<vmem>> -> memref<80x128xf32, #tpu.memory_space<vmem>>
        %dma_start3A_263 = arith.constant 0 : i32
        %dma_start3A_264 = tpu.memref_slice %arg9[%dma_start3A_258, %dma_start3A_263] : memref<6x80xi32, #tpu.memory_space<vmem>> -> memref<1x80xi32, #tpu.memory_space<vmem>>
        %dma_start3A_265 = tpu.memref_squeeze %dma_start3A_264 : memref<1x80xi32, #tpu.memory_space<vmem>> -> memref<80xi32, #tpu.memory_space<vmem>>
        %dma_start3A_266 = arith.constant 0 : i32
        %dma_start3A_267 = arith.constant 0 : i32
        %dma_start3A_268 = tpu.memref_slice %arg14[%dma_start3A_266, %dma_start3A_267] : memref<10240x128xf32, #tpu.memory_space<vmem_shared>> -> memref<10240x128xf32, #tpu.memory_space<vmem_shared>>
        tpu.enqueue_indirect_dma source(%dma_start3A_262 : memref<80x128xf32, #tpu.memory_space<vmem>>) target(%dma_start3A_268 : memref<10240x128xf32, #tpu.memory_space<vmem_shared>>) offsets(%dma_start3A_265 : memref<80xi32, #tpu.memory_space<vmem>>) semaphore(%arg24 : memref<!tpu.dma_semaphore, #tpu.memory_space<semaphore_mem>>) {add = true}
        %get3A = arith.constant 0 : i32
        %get3A_269 = arith.index_cast %get3A : i32 to index
        %get3A_270 = arith.constant 0 : index
        %get3A_271 = tpu.vector_load %arg9[%get3A_269, %get3A_270] {strides = array<i32>} : memref<6x80xi32, #tpu.memory_space<vmem>>, vector<16xi32>,
        tpu.vector_store_idx %arg13[%get3A_271], %broadcast_in_dim3A_5 {add = true} : memref<10240xf32, #tpu.memory_space<vmem>>[vector<16xi32>], vector<16xf32>,
        %get3A_272 = arith.constant 0 : i32
        %get3A_273 = arith.index_cast %get3A_272 : i32 to index
        %get3A_274 = arith.constant 16 : index
        %get3A_275 = tpu.vector_load %arg9[%get3A_273, %get3A_274] {strides = array<i32>} : memref<6x80xi32, #tpu.memory_space<vmem>>, vector<16xi32>,
        tpu.vector_store_idx %arg13[%get3A_275], %broadcast_in_dim3A_5 {add = true} : memref<10240xf32, #tpu.memory_space<vmem>>[vector<16xi32>], vector<16xf32>,
        %get3A_276 = arith.constant 0 : i32
        %get3A_277 = arith.index_cast %get3A_276 : i32 to index
        %get3A_278 = arith.constant 32 : index
        %get3A_279 = tpu.vector_load %arg9[%get3A_277, %get3A_278] {strides = array<i32>} : memref<6x80xi32, #tpu.memory_space<vmem>>, vector<16xi32>,
        tpu.vector_store_idx %arg13[%get3A_279], %broadcast_in_dim3A_5 {add = true} : memref<10240xf32, #tpu.memory_space<vmem>>[vector<16xi32>], vector<16xf32>,
        %get3A_280 = arith.constant 0 : i32
        %get3A_281 = arith.index_cast %get3A_280 : i32 to index
        %get3A_282 = arith.constant 48 : index
        %get3A_283 = tpu.vector_load %arg9[%get3A_281, %get3A_282] {strides = array<i32>} : memref<6x80xi32, #tpu.memory_space<vmem>>, vector<16xi32>,
        tpu.vector_store_idx %arg13[%get3A_283], %broadcast_in_dim3A_5 {add = true} : memref<10240xf32, #tpu.memory_space<vmem>>[vector<16xi32>], vector<16xf32>,
        %get3A_284 = arith.constant 0 : i32
        %get3A_285 = arith.index_cast %get3A_284 : i32 to index
        %get3A_286 = arith.constant 64 : index
        %get3A_287 = tpu.vector_load %arg9[%get3A_285, %get3A_286] {strides = array<i32>} : memref<6x80xi32, #tpu.memory_space<vmem>>, vector<16xi32>,
        tpu.vector_store_idx %arg13[%get3A_287], %broadcast_in_dim3A_5 {add = true} : memref<10240xf32, #tpu.memory_space<vmem>>[vector<16xi32>], vector<16xf32>,
        %lt3A_288 = arith.constant 121 : i32
        %lt3A_289 = arith.cmpi slt, %scan3A_205, %lt3A_288 : i32
        %convert_element_type3A_290 = arith.extui %lt3A_289 : i1 to i32
        %cond3A_291 = arith.constant 0 : i32
        %cond3A_292 = arith.cmpi ne, %convert_element_type3A_290, %cond3A_291 : i32
        scf.if %cond3A_292 {
          %add3A_293 = arith.constant 4 : i32
          %add3A_294 = arith.addi %scan3A_205, %add3A_293 : i32
          %mul3A_295 = arith.constant 80 : i32
          %mul3A_296 = arith.muli %add3A_294, %mul3A_295 : i32
          %add3A_297 = arith.addi %mul3A_2, %mul3A_296 : i32
          %dma_start3A_298 = arith.constant 4 : i32
          %dma_start3A_299 = arith.constant 0 : i32
          %dma_start3A_300 = tpu.memref_slice %arg9[%dma_start3A_298, %dma_start3A_299] : memref<6x80xi32, #tpu.memory_space<vmem>> -> memref<1x80xi32, #tpu.memory_space<vmem>>
          %dma_start3A_301 = tpu.memref_squeeze %dma_start3A_300 : memref<1x80xi32, #tpu.memory_space<vmem>> -> memref<80xi32, #tpu.memory_space<vmem>>
          %dma_start3A_302 = tpu.memref_slice %arg3[%add3A_297] : memref<320000xi32, #tpu.memory_space<hbm>> -> memref<80xi32, #tpu.memory_space<hbm>>
          %dma_start3A_303 = arith.constant 0 : i32
          %dma_start3A_304 = tpu.memref_slice %arg9[%dma_start3A_298, %dma_start3A_303] : memref<6x80xi32, #tpu.memory_space<vmem>> -> memref<1x80xi32, #tpu.memory_space<vmem>>
          %dma_start3A_305 = tpu.memref_squeeze %dma_start3A_304 : memref<1x80xi32, #tpu.memory_space<vmem>> -> memref<80xi32, #tpu.memory_space<vmem>>
          %dma_start3A_306 = tpu.memref_slice %arg3[%add3A_297] : memref<320000xi32, #tpu.memory_space<hbm>> -> memref<80xi32, #tpu.memory_space<hbm>>
          tpu.enqueue_dma source(%dma_start3A_306 : memref<80xi32, #tpu.memory_space<hbm>>) target(%dma_start3A_305 : memref<80xi32, #tpu.memory_space<vmem>>) target_semaphore(%arg22 : memref<!tpu.dma_semaphore, #tpu.memory_space<semaphore_mem>>)
          %dma_start3A_307 = arith.constant 4 : i32
          %dma_start3A_308 = arith.constant 0 : i32
          %dma_start3A_309 = tpu.memref_slice %arg10[%dma_start3A_307, %dma_start3A_308] : memref<6x80xi32, #tpu.memory_space<vmem>> -> memref<1x80xi32, #tpu.memory_space<vmem>>
          %dma_start3A_310 = tpu.memref_squeeze %dma_start3A_309 : memref<1x80xi32, #tpu.memory_space<vmem>> -> memref<80xi32, #tpu.memory_space<vmem>>
          %dma_start3A_311 = tpu.memref_slice %arg4[%add3A_297] : memref<320000xi32, #tpu.memory_space<hbm>> -> memref<80xi32, #tpu.memory_space<hbm>>
          %dma_start3A_312 = arith.constant 0 : i32
          %dma_start3A_313 = tpu.memref_slice %arg10[%dma_start3A_307, %dma_start3A_312] : memref<6x80xi32, #tpu.memory_space<vmem>> -> memref<1x80xi32, #tpu.memory_space<vmem>>
          %dma_start3A_314 = tpu.memref_squeeze %dma_start3A_313 : memref<1x80xi32, #tpu.memory_space<vmem>> -> memref<80xi32, #tpu.memory_space<vmem>>
          %dma_start3A_315 = tpu.memref_slice %arg4[%add3A_297] : memref<320000xi32, #tpu.memory_space<hbm>> -> memref<80xi32, #tpu.memory_space<hbm>>
          tpu.enqueue_dma source(%dma_start3A_315 : memref<80xi32, #tpu.memory_space<hbm>>) target(%dma_start3A_314 : memref<80xi32, #tpu.memory_space<vmem>>) target_semaphore(%arg22 : memref<!tpu.dma_semaphore, #tpu.memory_space<semaphore_mem>>)
        } else {
        }
      } else {
      }
      %eq3A_209 = arith.constant 1 : i32
      %eq3A_210 = arith.cmpi eq, %rem3A_206, %eq3A_209 : i32
      %convert_element_type3A_211 = arith.extui %eq3A_210 : i1 to i32
      %cond3A_212 = arith.constant 0 : i32
      %cond3A_213 = arith.cmpi ne, %convert_element_type3A_211, %cond3A_212 : i32
      scf.if %cond3A_213 {
        %dma_wait3A_234 = arith.constant 1 : i32
        %dma_wait3A_235 = arith.constant 0 : i32
        %dma_wait3A_236 = arith.constant 0 : i32
        %dma_wait3A_237 = tpu.memref_slice %arg11[%dma_wait3A_234, %dma_wait3A_235, %dma_wait3A_236] : memref<3x80x128xf32, #tpu.memory_space<vmem>> -> memref<1x80x128xf32, #tpu.memory_space<vmem>>
        %dma_wait3A_238 = tpu.memref_squeeze %dma_wait3A_237 : memref<1x80x128xf32, #tpu.memory_space<vmem>> -> memref<80x128xf32, #tpu.memory_space<vmem>>
        %dma_wait3A_239 = arith.constant 0 : i32
        %dma_wait3A_240 = arith.constant 0 : i32
        %dma_wait3A_241 = tpu.memref_slice %arg2[%dma_wait3A_239, %dma_wait3A_240] : memref<10000x128xf32, #tpu.memory_space<hbm>> -> memref<80x128xf32, #tpu.memory_space<hbm>>
        %dma_wait3A_242 = arith.constant 0 : i32
        %dma_wait3A_243 = arith.constant 0 : i32
        %dma_wait3A_244 = tpu.memref_slice %arg11[%dma_wait3A_234, %dma_wait3A_242, %dma_wait3A_243] : memref<3x80x128xf32, #tpu.memory_space<vmem>> -> memref<1x80x128xf32, #tpu.memory_space<vmem>>
        %dma_wait3A_245 = tpu.memref_squeeze %dma_wait3A_244 : memref<1x80x128xf32, #tpu.memory_space<vmem>> -> memref<80x128xf32, #tpu.memory_space<vmem>>
        %dma_wait3A_246 = arith.constant 0 : i32
        %dma_wait3A_247 = arith.constant 0 : i32
        %dma_wait3A_248 = tpu.memref_slice %arg2[%dma_wait3A_246, %dma_wait3A_247] : memref<10000x128xf32, #tpu.memory_space<hbm>> -> memref<80x128xf32, #tpu.memory_space<hbm>>
        tpu.wait_dma2 semaphore(%arg16 : memref<!tpu.dma_semaphore, #tpu.memory_space<semaphore_mem>>) src(%dma_wait3A_248 : memref<80x128xf32, #tpu.memory_space<hbm>>) dst(%dma_wait3A_245 : memref<80x128xf32, #tpu.memory_space<vmem>>)
        %ge3A = arith.constant 1 : i32
        %ge3A_249 = arith.cmpi sge, %scan3A_205, %ge3A : i32
        %convert_element_type3A_250 = arith.extui %ge3A_249 : i1 to i32
        %cond3A_251 = arith.constant 0 : i32
        %cond3A_252 = arith.cmpi ne, %convert_element_type3A_250, %cond3A_251 : i32
        scf.if %cond3A_252 {
          %dma_wait3A_293 = arith.constant 0 : i32
          %dma_wait3A_294 = arith.constant 0 : i32
          %dma_wait3A_295 = arith.constant 0 : i32
          %dma_wait3A_296 = tpu.memref_slice %arg11[%dma_wait3A_293, %dma_wait3A_294, %dma_wait3A_295] : memref<3x80x128xf32, #tpu.memory_space<vmem>> -> memref<1x80x128xf32, #tpu.memory_space<vmem>>
          %dma_wait3A_297 = tpu.memref_squeeze %dma_wait3A_296 : memref<1x80x128xf32, #tpu.memory_space<vmem>> -> memref<80x128xf32, #tpu.memory_space<vmem>>
          %dma_wait3A_298 = arith.constant 0 : i32
          %dma_wait3A_299 = arith.constant 0 : i32
          %dma_wait3A_300 = tpu.memref_slice %arg14[%dma_wait3A_298, %dma_wait3A_299] : memref<10240x128xf32, #tpu.memory_space<vmem_shared>> -> memref<80x128xf32, #tpu.memory_space<vmem_shared>>
          %dma_wait3A_301 = arith.constant 0 : i32
          %dma_wait3A_302 = arith.constant 0 : i32
          %dma_wait3A_303 = tpu.memref_slice %arg14[%dma_wait3A_301, %dma_wait3A_302] : memref<10240x128xf32, #tpu.memory_space<vmem_shared>> -> memref<80x128xf32, #tpu.memory_space<vmem_shared>>
          %dma_wait3A_304 = arith.constant 0 : i32
          %dma_wait3A_305 = arith.constant 0 : i32
          %dma_wait3A_306 = tpu.memref_slice %arg11[%dma_wait3A_293, %dma_wait3A_304, %dma_wait3A_305] : memref<3x80x128xf32, #tpu.memory_space<vmem>> -> memref<1x80x128xf32, #tpu.memory_space<vmem>>
          %dma_wait3A_307 = tpu.memref_squeeze %dma_wait3A_306 : memref<1x80x128xf32, #tpu.memory_space<vmem>> -> memref<80x128xf32, #tpu.memory_space<vmem>>
          tpu.wait_dma2 semaphore(%arg24 : memref<!tpu.dma_semaphore, #tpu.memory_space<semaphore_mem>>) src(%dma_wait3A_307 : memref<80x128xf32, #tpu.memory_space<vmem>>) dst(%dma_wait3A_303 : memref<80x128xf32, #tpu.memory_space<vmem_shared>>)
        } else {
        }
        %lt3A = arith.constant 123 : i32
        %lt3A_253 = arith.cmpi slt, %scan3A_205, %lt3A : i32
        %convert_element_type3A_254 = arith.extui %lt3A_253 : i1 to i32
        %cond3A_255 = arith.constant 0 : i32
        %cond3A_256 = arith.cmpi ne, %convert_element_type3A_254, %cond3A_255 : i32
        scf.if %cond3A_256 {
          %dma_wait3A_293 = arith.constant 3 : i32
          %dma_wait3A_294 = arith.constant 0 : i32
          %dma_wait3A_295 = tpu.memref_slice %arg9[%dma_wait3A_293, %dma_wait3A_294] : memref<6x80xi32, #tpu.memory_space<vmem>> -> memref<1x80xi32, #tpu.memory_space<vmem>>
          %dma_wait3A_296 = tpu.memref_squeeze %dma_wait3A_295 : memref<1x80xi32, #tpu.memory_space<vmem>> -> memref<80xi32, #tpu.memory_space<vmem>>
          %dma_wait3A_297 = arith.constant 0 : i32
          %dma_wait3A_298 = tpu.memref_slice %arg3[%dma_wait3A_297] : memref<320000xi32, #tpu.memory_space<hbm>> -> memref<80xi32, #tpu.memory_space<hbm>>
          %dma_wait3A_299 = arith.constant 0 : i32
          %dma_wait3A_300 = tpu.memref_slice %arg9[%dma_wait3A_293, %dma_wait3A_299] : memref<6x80xi32, #tpu.memory_space<vmem>> -> memref<1x80xi32, #tpu.memory_space<vmem>>
          %dma_wait3A_301 = tpu.memref_squeeze %dma_wait3A_300 : memref<1x80xi32, #tpu.memory_space<vmem>> -> memref<80xi32, #tpu.memory_space<vmem>>
          %dma_wait3A_302 = arith.constant 0 : i32
          %dma_wait3A_303 = tpu.memref_slice %arg3[%dma_wait3A_302] : memref<320000xi32, #tpu.memory_space<hbm>> -> memref<80xi32, #tpu.memory_space<hbm>>
          tpu.wait_dma2 semaphore(%arg21 : memref<!tpu.dma_semaphore, #tpu.memory_space<semaphore_mem>>) src(%dma_wait3A_303 : memref<80xi32, #tpu.memory_space<hbm>>) dst(%dma_wait3A_301 : memref<80xi32, #tpu.memory_space<vmem>>)
          %dma_wait3A_304 = arith.constant 3 : i32
          %dma_wait3A_305 = arith.constant 0 : i32
          %dma_wait3A_306 = tpu.memref_slice %arg10[%dma_wait3A_304, %dma_wait3A_305] : memref<6x80xi32, #tpu.memory_space<vmem>> -> memref<1x80xi32, #tpu.memory_space<vmem>>
          %dma_wait3A_307 = tpu.memref_squeeze %dma_wait3A_306 : memref<1x80xi32, #tpu.memory_space<vmem>> -> memref<80xi32, #tpu.memory_space<vmem>>
          %dma_wait3A_308 = arith.constant 0 : i32
          %dma_wait3A_309 = tpu.memref_slice %arg4[%dma_wait3A_308] : memref<320000xi32, #tpu.memory_space<hbm>> -> memref<80xi32, #tpu.memory_space<hbm>>
          %dma_wait3A_310 = arith.constant 0 : i32
          %dma_wait3A_311 = tpu.memref_slice %arg10[%dma_wait3A_304, %dma_wait3A_310] : memref<6x80xi32, #tpu.memory_space<vmem>> -> memref<1x80xi32, #tpu.memory_space<vmem>>
          %dma_wait3A_312 = tpu.memref_squeeze %dma_wait3A_311 : memref<1x80xi32, #tpu.memory_space<vmem>> -> memref<80xi32, #tpu.memory_space<vmem>>
          %dma_wait3A_313 = arith.constant 0 : i32
          %dma_wait3A_314 = tpu.memref_slice %arg4[%dma_wait3A_313] : memref<320000xi32, #tpu.memory_space<hbm>> -> memref<80xi32, #tpu.memory_space<hbm>>
          tpu.wait_dma2 semaphore(%arg21 : memref<!tpu.dma_semaphore, #tpu.memory_space<semaphore_mem>>) src(%dma_wait3A_314 : memref<80xi32, #tpu.memory_space<hbm>>) dst(%dma_wait3A_312 : memref<80xi32, #tpu.memory_space<vmem>>)
          %dma_start3A_315 = arith.constant 3 : i32
          %dma_start3A_316 = arith.constant 0 : i32
          %dma_start3A_317 = arith.constant 0 : i32
          %dma_start3A_318 = arith.constant 0 : i32
          %dma_start3A_319 = tpu.memref_slice %arg11[%dma_start3A_316, %dma_start3A_317, %dma_start3A_318] : memref<3x80x128xf32, #tpu.memory_space<vmem>> -> memref<1x80x128xf32, #tpu.memory_space<vmem>>
          %dma_start3A_320 = tpu.memref_squeeze %dma_start3A_319 : memref<1x80x128xf32, #tpu.memory_space<vmem>> -> memref<80x128xf32, #tpu.memory_space<vmem>>
          %dma_start3A_321 = arith.constant 0 : i32
          %dma_start3A_322 = tpu.memref_slice %arg10[%dma_start3A_315, %dma_start3A_321] : memref<6x80xi32, #tpu.memory_space<vmem>> -> memref<1x80xi32, #tpu.memory_space<vmem>>
          %dma_start3A_323 = tpu.memref_squeeze %dma_start3A_322 : memref<1x80xi32, #tpu.memory_space<vmem>> -> memref<80xi32, #tpu.memory_space<vmem>>
          %dma_start3A_324 = arith.constant 0 : i32
          %dma_start3A_325 = arith.constant 0 : i32
          %dma_start3A_326 = tpu.memref_slice %arg2[%dma_start3A_324, %dma_start3A_325] : memref<10000x128xf32, #tpu.memory_space<hbm>> -> memref<10000x128xf32, #tpu.memory_space<hbm>>
          tpu.enqueue_indirect_dma source(%dma_start3A_326 : memref<10000x128xf32, #tpu.memory_space<hbm>>) target(%dma_start3A_320 : memref<80x128xf32, #tpu.memory_space<vmem>>) offsets(%dma_start3A_323 : memref<80xi32, #tpu.memory_space<vmem>>) semaphore(%arg15 : memref<!tpu.dma_semaphore, #tpu.memory_space<semaphore_mem>>)
        } else {
        }
        %dma_start3A_257 = arith.constant 1 : i32
        %dma_start3A_258 = arith.constant 1 : i32
        %dma_start3A_259 = arith.constant 0 : i32
        %dma_start3A_260 = arith.constant 0 : i32
        %dma_start3A_261 = tpu.memref_slice %arg11[%dma_start3A_257, %dma_start3A_259, %dma_start3A_260] : memref<3x80x128xf32, #tpu.memory_space<vmem>> -> memref<1x80x128xf32, #tpu.memory_space<vmem>>
        %dma_start3A_262 = tpu.memref_squeeze %dma_start3A_261 : memref<1x80x128xf32, #tpu.memory_space<vmem>> -> memref<80x128xf32, #tpu.memory_space<vmem>>
        %dma_start3A_263 = arith.constant 0 : i32
        %dma_start3A_264 = tpu.memref_slice %arg9[%dma_start3A_258, %dma_start3A_263] : memref<6x80xi32, #tpu.memory_space<vmem>> -> memref<1x80xi32, #tpu.memory_space<vmem>>
        %dma_start3A_265 = tpu.memref_squeeze %dma_start3A_264 : memref<1x80xi32, #tpu.memory_space<vmem>> -> memref<80xi32, #tpu.memory_space<vmem>>
        %dma_start3A_266 = arith.constant 0 : i32
        %dma_start3A_267 = arith.constant 0 : i32
        %dma_start3A_268 = tpu.memref_slice %arg14[%dma_start3A_266, %dma_start3A_267] : memref<10240x128xf32, #tpu.memory_space<vmem_shared>> -> memref<10240x128xf32, #tpu.memory_space<vmem_shared>>
        tpu.enqueue_indirect_dma source(%dma_start3A_262 : memref<80x128xf32, #tpu.memory_space<vmem>>) target(%dma_start3A_268 : memref<10240x128xf32, #tpu.memory_space<vmem_shared>>) offsets(%dma_start3A_265 : memref<80xi32, #tpu.memory_space<vmem>>) semaphore(%arg25 : memref<!tpu.dma_semaphore, #tpu.memory_space<semaphore_mem>>) {add = true}
        %get3A = arith.constant 1 : i32
        %get3A_269 = arith.index_cast %get3A : i32 to index
        %get3A_270 = arith.constant 0 : index
        %get3A_271 = tpu.vector_load %arg9[%get3A_269, %get3A_270] {strides = array<i32>} : memref<6x80xi32, #tpu.memory_space<vmem>>, vector<16xi32>,
        tpu.vector_store_idx %arg13[%get3A_271], %broadcast_in_dim3A_5 {add = true} : memref<10240xf32, #tpu.memory_space<vmem>>[vector<16xi32>], vector<16xf32>,
        %get3A_272 = arith.constant 1 : i32
        %get3A_273 = arith.index_cast %get3A_272 : i32 to index
        %get3A_274 = arith.constant 16 : index
        %get3A_275 = tpu.vector_load %arg9[%get3A_273, %get3A_274] {strides = array<i32>} : memref<6x80xi32, #tpu.memory_space<vmem>>, vector<16xi32>,
        tpu.vector_store_idx %arg13[%get3A_275], %broadcast_in_dim3A_5 {add = true} : memref<10240xf32, #tpu.memory_space<vmem>>[vector<16xi32>], vector<16xf32>,
        %get3A_276 = arith.constant 1 : i32
        %get3A_277 = arith.index_cast %get3A_276 : i32 to index
        %get3A_278 = arith.constant 32 : index
        %get3A_279 = tpu.vector_load %arg9[%get3A_277, %get3A_278] {strides = array<i32>} : memref<6x80xi32, #tpu.memory_space<vmem>>, vector<16xi32>,
        tpu.vector_store_idx %arg13[%get3A_279], %broadcast_in_dim3A_5 {add = true} : memref<10240xf32, #tpu.memory_space<vmem>>[vector<16xi32>], vector<16xf32>,
        %get3A_280 = arith.constant 1 : i32
        %get3A_281 = arith.index_cast %get3A_280 : i32 to index
        %get3A_282 = arith.constant 48 : index
        %get3A_283 = tpu.vector_load %arg9[%get3A_281, %get3A_282] {strides = array<i32>} : memref<6x80xi32, #tpu.memory_space<vmem>>, vector<16xi32>,
        tpu.vector_store_idx %arg13[%get3A_283], %broadcast_in_dim3A_5 {add = true} : memref<10240xf32, #tpu.memory_space<vmem>>[vector<16xi32>], vector<16xf32>,
        %get3A_284 = arith.constant 1 : i32
        %get3A_285 = arith.index_cast %get3A_284 : i32 to index
        %get3A_286 = arith.constant 64 : index
        %get3A_287 = tpu.vector_load %arg9[%get3A_285, %get3A_286] {strides = array<i32>} : memref<6x80xi32, #tpu.memory_space<vmem>>, vector<16xi32>,
        tpu.vector_store_idx %arg13[%get3A_287], %broadcast_in_dim3A_5 {add = true} : memref<10240xf32, #tpu.memory_space<vmem>>[vector<16xi32>], vector<16xf32>,
        %lt3A_288 = arith.constant 121 : i32
        %lt3A_289 = arith.cmpi slt, %scan3A_205, %lt3A_288 : i32
        %convert_element_type3A_290 = arith.extui %lt3A_289 : i1 to i32
        %cond3A_291 = arith.constant 0 : i32
        %cond3A_292 = arith.cmpi ne, %convert_element_type3A_290, %cond3A_291 : i32
        scf.if %cond3A_292 {
          %add3A_293 = arith.constant 4 : i32
          %add3A_294 = arith.addi %scan3A_205, %add3A_293 : i32
          %mul3A_295 = arith.constant 80 : i32
          %mul3A_296 = arith.muli %add3A_294, %mul3A_295 : i32
          %add3A_297 = arith.addi %mul3A_2, %mul3A_296 : i32
          %dma_start3A_298 = arith.constant 5 : i32
          %dma_start3A_299 = arith.constant 0 : i32
          %dma_start3A_300 = tpu.memref_slice %arg9[%dma_start3A_298, %dma_start3A_299] : memref<6x80xi32, #tpu.memory_space<vmem>> -> memref<1x80xi32, #tpu.memory_space<vmem>>
          %dma_start3A_301 = tpu.memref_squeeze %dma_start3A_300 : memref<1x80xi32, #tpu.memory_space<vmem>> -> memref<80xi32, #tpu.memory_space<vmem>>
          %dma_start3A_302 = tpu.memref_slice %arg3[%add3A_297] : memref<320000xi32, #tpu.memory_space<hbm>> -> memref<80xi32, #tpu.memory_space<hbm>>
          %dma_start3A_303 = arith.constant 0 : i32
          %dma_start3A_304 = tpu.memref_slice %arg9[%dma_start3A_298, %dma_start3A_303] : memref<6x80xi32, #tpu.memory_space<vmem>> -> memref<1x80xi32, #tpu.memory_space<vmem>>
          %dma_start3A_305 = tpu.memref_squeeze %dma_start3A_304 : memref<1x80xi32, #tpu.memory_space<vmem>> -> memref<80xi32, #tpu.memory_space<vmem>>
          %dma_start3A_306 = tpu.memref_slice %arg3[%add3A_297] : memref<320000xi32, #tpu.memory_space<hbm>> -> memref<80xi32, #tpu.memory_space<hbm>>
          tpu.enqueue_dma source(%dma_start3A_306 : memref<80xi32, #tpu.memory_space<hbm>>) target(%dma_start3A_305 : memref<80xi32, #tpu.memory_space<vmem>>) target_semaphore(%arg23 : memref<!tpu.dma_semaphore, #tpu.memory_space<semaphore_mem>>)
          %dma_start3A_307 = arith.constant 5 : i32
          %dma_start3A_308 = arith.constant 0 : i32
          %dma_start3A_309 = tpu.memref_slice %arg10[%dma_start3A_307, %dma_start3A_308] : memref<6x80xi32, #tpu.memory_space<vmem>> -> memref<1x80xi32, #tpu.memory_space<vmem>>
          %dma_start3A_310 = tpu.memref_squeeze %dma_start3A_309 : memref<1x80xi32, #tpu.memory_space<vmem>> -> memref<80xi32, #tpu.memory_space<vmem>>
          %dma_start3A_311 = tpu.memref_slice %arg4[%add3A_297] : memref<320000xi32, #tpu.memory_space<hbm>> -> memref<80xi32, #tpu.memory_space<hbm>>
          %dma_start3A_312 = arith.constant 0 : i32
          %dma_start3A_313 = tpu.memref_slice %arg10[%dma_start3A_307, %dma_start3A_312] : memref<6x80xi32, #tpu.memory_space<vmem>> -> memref<1x80xi32, #tpu.memory_space<vmem>>
          %dma_start3A_314 = tpu.memref_squeeze %dma_start3A_313 : memref<1x80xi32, #tpu.memory_space<vmem>> -> memref<80xi32, #tpu.memory_space<vmem>>
          %dma_start3A_315 = tpu.memref_slice %arg4[%add3A_297] : memref<320000xi32, #tpu.memory_space<hbm>> -> memref<80xi32, #tpu.memory_space<hbm>>
          tpu.enqueue_dma source(%dma_start3A_315 : memref<80xi32, #tpu.memory_space<hbm>>) target(%dma_start3A_314 : memref<80xi32, #tpu.memory_space<vmem>>) target_semaphore(%arg23 : memref<!tpu.dma_semaphore, #tpu.memory_space<semaphore_mem>>)
        } else {
        }
      } else {
      }
      %eq3A_214 = arith.constant 2 : i32
      %eq3A_215 = arith.cmpi eq, %rem3A_206, %eq3A_214 : i32
      %convert_element_type3A_216 = arith.extui %eq3A_215 : i1 to i32
      %cond3A_217 = arith.constant 0 : i32
      %cond3A_218 = arith.cmpi ne, %convert_element_type3A_216, %cond3A_217 : i32
      scf.if %cond3A_218 {
        %dma_wait3A_234 = arith.constant 2 : i32
        %dma_wait3A_235 = arith.constant 0 : i32
        %dma_wait3A_236 = arith.constant 0 : i32
        %dma_wait3A_237 = tpu.memref_slice %arg11[%dma_wait3A_234, %dma_wait3A_235, %dma_wait3A_236] : memref<3x80x128xf32, #tpu.memory_space<vmem>> -> memref<1x80x128xf32, #tpu.memory_space<vmem>>
        %dma_wait3A_238 = tpu.memref_squeeze %dma_wait3A_237 : memref<1x80x128xf32, #tpu.memory_space<vmem>> -> memref<80x128xf32, #tpu.memory_space<vmem>>
        %dma_wait3A_239 = arith.constant 0 : i32
        %dma_wait3A_240 = arith.constant 0 : i32
        %dma_wait3A_241 = tpu.memref_slice %arg2[%dma_wait3A_239, %dma_wait3A_240] : memref<10000x128xf32, #tpu.memory_space<hbm>> -> memref<80x128xf32, #tpu.memory_space<hbm>>
        %dma_wait3A_242 = arith.constant 0 : i32
        %dma_wait3A_243 = arith.constant 0 : i32
        %dma_wait3A_244 = tpu.memref_slice %arg11[%dma_wait3A_234, %dma_wait3A_242, %dma_wait3A_243] : memref<3x80x128xf32, #tpu.memory_space<vmem>> -> memref<1x80x128xf32, #tpu.memory_space<vmem>>
        %dma_wait3A_245 = tpu.memref_squeeze %dma_wait3A_244 : memref<1x80x128xf32, #tpu.memory_space<vmem>> -> memref<80x128xf32, #tpu.memory_space<vmem>>
        %dma_wait3A_246 = arith.constant 0 : i32
        %dma_wait3A_247 = arith.constant 0 : i32
        %dma_wait3A_248 = tpu.memref_slice %arg2[%dma_wait3A_246, %dma_wait3A_247] : memref<10000x128xf32, #tpu.memory_space<hbm>> -> memref<80x128xf32, #tpu.memory_space<hbm>>
        tpu.wait_dma2 semaphore(%arg17 : memref<!tpu.dma_semaphore, #tpu.memory_space<semaphore_mem>>) src(%dma_wait3A_248 : memref<80x128xf32, #tpu.memory_space<hbm>>) dst(%dma_wait3A_245 : memref<80x128xf32, #tpu.memory_space<vmem>>)
        %ge3A = arith.constant 1 : i32
        %ge3A_249 = arith.cmpi sge, %scan3A_205, %ge3A : i32
        %convert_element_type3A_250 = arith.extui %ge3A_249 : i1 to i32
        %cond3A_251 = arith.constant 0 : i32
        %cond3A_252 = arith.cmpi ne, %convert_element_type3A_250, %cond3A_251 : i32
        scf.if %cond3A_252 {
          %dma_wait3A_293 = arith.constant 1 : i32
          %dma_wait3A_294 = arith.constant 0 : i32
          %dma_wait3A_295 = arith.constant 0 : i32
          %dma_wait3A_296 = tpu.memref_slice %arg11[%dma_wait3A_293, %dma_wait3A_294, %dma_wait3A_295] : memref<3x80x128xf32, #tpu.memory_space<vmem>> -> memref<1x80x128xf32, #tpu.memory_space<vmem>>
          %dma_wait3A_297 = tpu.memref_squeeze %dma_wait3A_296 : memref<1x80x128xf32, #tpu.memory_space<vmem>> -> memref<80x128xf32, #tpu.memory_space<vmem>>
          %dma_wait3A_298 = arith.constant 0 : i32
          %dma_wait3A_299 = arith.constant 0 : i32
          %dma_wait3A_300 = tpu.memref_slice %arg14[%dma_wait3A_298, %dma_wait3A_299] : memref<10240x128xf32, #tpu.memory_space<vmem_shared>> -> memref<80x128xf32, #tpu.memory_space<vmem_shared>>
          %dma_wait3A_301 = arith.constant 0 : i32
          %dma_wait3A_302 = arith.constant 0 : i32
          %dma_wait3A_303 = tpu.memref_slice %arg14[%dma_wait3A_301, %dma_wait3A_302] : memref<10240x128xf32, #tpu.memory_space<vmem_shared>> -> memref<80x128xf32, #tpu.memory_space<vmem_shared>>
          %dma_wait3A_304 = arith.constant 0 : i32
          %dma_wait3A_305 = arith.constant 0 : i32
          %dma_wait3A_306 = tpu.memref_slice %arg11[%dma_wait3A_293, %dma_wait3A_304, %dma_wait3A_305] : memref<3x80x128xf32, #tpu.memory_space<vmem>> -> memref<1x80x128xf32, #tpu.memory_space<vmem>>
          %dma_wait3A_307 = tpu.memref_squeeze %dma_wait3A_306 : memref<1x80x128xf32, #tpu.memory_space<vmem>> -> memref<80x128xf32, #tpu.memory_space<vmem>>
          tpu.wait_dma2 semaphore(%arg25 : memref<!tpu.dma_semaphore, #tpu.memory_space<semaphore_mem>>) src(%dma_wait3A_307 : memref<80x128xf32, #tpu.memory_space<vmem>>) dst(%dma_wait3A_303 : memref<80x128xf32, #tpu.memory_space<vmem_shared>>)
        } else {
        }
        %lt3A = arith.constant 123 : i32
        %lt3A_253 = arith.cmpi slt, %scan3A_205, %lt3A : i32
        %convert_element_type3A_254 = arith.extui %lt3A_253 : i1 to i32
        %cond3A_255 = arith.constant 0 : i32
        %cond3A_256 = arith.cmpi ne, %convert_element_type3A_254, %cond3A_255 : i32
        scf.if %cond3A_256 {
          %dma_wait3A_293 = arith.constant 4 : i32
          %dma_wait3A_294 = arith.constant 0 : i32
          %dma_wait3A_295 = tpu.memref_slice %arg9[%dma_wait3A_293, %dma_wait3A_294] : memref<6x80xi32, #tpu.memory_space<vmem>> -> memref<1x80xi32, #tpu.memory_space<vmem>>
          %dma_wait3A_296 = tpu.memref_squeeze %dma_wait3A_295 : memref<1x80xi32, #tpu.memory_space<vmem>> -> memref<80xi32, #tpu.memory_space<vmem>>
          %dma_wait3A_297 = arith.constant 0 : i32
          %dma_wait3A_298 = tpu.memref_slice %arg3[%dma_wait3A_297] : memref<320000xi32, #tpu.memory_space<hbm>> -> memref<80xi32, #tpu.memory_space<hbm>>
          %dma_wait3A_299 = arith.constant 0 : i32
          %dma_wait3A_300 = tpu.memref_slice %arg9[%dma_wait3A_293, %dma_wait3A_299] : memref<6x80xi32, #tpu.memory_space<vmem>> -> memref<1x80xi32, #tpu.memory_space<vmem>>
          %dma_wait3A_301 = tpu.memref_squeeze %dma_wait3A_300 : memref<1x80xi32, #tpu.memory_space<vmem>> -> memref<80xi32, #tpu.memory_space<vmem>>
          %dma_wait3A_302 = arith.constant 0 : i32
          %dma_wait3A_303 = tpu.memref_slice %arg3[%dma_wait3A_302] : memref<320000xi32, #tpu.memory_space<hbm>> -> memref<80xi32, #tpu.memory_space<hbm>>
          tpu.wait_dma2 semaphore(%arg22 : memref<!tpu.dma_semaphore, #tpu.memory_space<semaphore_mem>>) src(%dma_wait3A_303 : memref<80xi32, #tpu.memory_space<hbm>>) dst(%dma_wait3A_301 : memref<80xi32, #tpu.memory_space<vmem>>)
          %dma_wait3A_304 = arith.constant 4 : i32
          %dma_wait3A_305 = arith.constant 0 : i32
          %dma_wait3A_306 = tpu.memref_slice %arg10[%dma_wait3A_304, %dma_wait3A_305] : memref<6x80xi32, #tpu.memory_space<vmem>> -> memref<1x80xi32, #tpu.memory_space<vmem>>
          %dma_wait3A_307 = tpu.memref_squeeze %dma_wait3A_306 : memref<1x80xi32, #tpu.memory_space<vmem>> -> memref<80xi32, #tpu.memory_space<vmem>>
          %dma_wait3A_308 = arith.constant 0 : i32
          %dma_wait3A_309 = tpu.memref_slice %arg4[%dma_wait3A_308] : memref<320000xi32, #tpu.memory_space<hbm>> -> memref<80xi32, #tpu.memory_space<hbm>>
          %dma_wait3A_310 = arith.constant 0 : i32
          %dma_wait3A_311 = tpu.memref_slice %arg10[%dma_wait3A_304, %dma_wait3A_310] : memref<6x80xi32, #tpu.memory_space<vmem>> -> memref<1x80xi32, #tpu.memory_space<vmem>>
          %dma_wait3A_312 = tpu.memref_squeeze %dma_wait3A_311 : memref<1x80xi32, #tpu.memory_space<vmem>> -> memref<80xi32, #tpu.memory_space<vmem>>
          %dma_wait3A_313 = arith.constant 0 : i32
          %dma_wait3A_314 = tpu.memref_slice %arg4[%dma_wait3A_313] : memref<320000xi32, #tpu.memory_space<hbm>> -> memref<80xi32, #tpu.memory_space<hbm>>
          tpu.wait_dma2 semaphore(%arg22 : memref<!tpu.dma_semaphore, #tpu.memory_space<semaphore_mem>>) src(%dma_wait3A_314 : memref<80xi32, #tpu.memory_space<hbm>>) dst(%dma_wait3A_312 : memref<80xi32, #tpu.memory_space<vmem>>)
          %dma_start3A_315 = arith.constant 4 : i32
          %dma_start3A_316 = arith.constant 1 : i32
          %dma_start3A_317 = arith.constant 0 : i32
          %dma_start3A_318 = arith.constant 0 : i32
          %dma_start3A_319 = tpu.memref_slice %arg11[%dma_start3A_316, %dma_start3A_317, %dma_start3A_318] : memref<3x80x128xf32, #tpu.memory_space<vmem>> -> memref<1x80x128xf32, #tpu.memory_space<vmem>>
          %dma_start3A_320 = tpu.memref_squeeze %dma_start3A_319 : memref<1x80x128xf32, #tpu.memory_space<vmem>> -> memref<80x128xf32, #tpu.memory_space<vmem>>
          %dma_start3A_321 = arith.constant 0 : i32
          %dma_start3A_322 = tpu.memref_slice %arg10[%dma_start3A_315, %dma_start3A_321] : memref<6x80xi32, #tpu.memory_space<vmem>> -> memref<1x80xi32, #tpu.memory_space<vmem>>
          %dma_start3A_323 = tpu.memref_squeeze %dma_start3A_322 : memref<1x80xi32, #tpu.memory_space<vmem>> -> memref<80xi32, #tpu.memory_space<vmem>>
          %dma_start3A_324 = arith.constant 0 : i32
          %dma_start3A_325 = arith.constant 0 : i32
          %dma_start3A_326 = tpu.memref_slice %arg2[%dma_start3A_324, %dma_start3A_325] : memref<10000x128xf32, #tpu.memory_space<hbm>> -> memref<10000x128xf32, #tpu.memory_space<hbm>>
          tpu.enqueue_indirect_dma source(%dma_start3A_326 : memref<10000x128xf32, #tpu.memory_space<hbm>>) target(%dma_start3A_320 : memref<80x128xf32, #tpu.memory_space<vmem>>) offsets(%dma_start3A_323 : memref<80xi32, #tpu.memory_space<vmem>>) semaphore(%arg16 : memref<!tpu.dma_semaphore, #tpu.memory_space<semaphore_mem>>)
        } else {
        }
        %dma_start3A_257 = arith.constant 2 : i32
        %dma_start3A_258 = arith.constant 2 : i32
        %dma_start3A_259 = arith.constant 0 : i32
        %dma_start3A_260 = arith.constant 0 : i32
        %dma_start3A_261 = tpu.memref_slice %arg11[%dma_start3A_257, %dma_start3A_259, %dma_start3A_260] : memref<3x80x128xf32, #tpu.memory_space<vmem>> -> memref<1x80x128xf32, #tpu.memory_space<vmem>>
        %dma_start3A_262 = tpu.memref_squeeze %dma_start3A_261 : memref<1x80x128xf32, #tpu.memory_space<vmem>> -> memref<80x128xf32, #tpu.memory_space<vmem>>
        %dma_start3A_263 = arith.constant 0 : i32
        %dma_start3A_264 = tpu.memref_slice %arg9[%dma_start3A_258, %dma_start3A_263] : memref<6x80xi32, #tpu.memory_space<vmem>> -> memref<1x80xi32, #tpu.memory_space<vmem>>
        %dma_start3A_265 = tpu.memref_squeeze %dma_start3A_264 : memref<1x80xi32, #tpu.memory_space<vmem>> -> memref<80xi32, #tpu.memory_space<vmem>>
        %dma_start3A_266 = arith.constant 0 : i32
        %dma_start3A_267 = arith.constant 0 : i32
        %dma_start3A_268 = tpu.memref_slice %arg14[%dma_start3A_266, %dma_start3A_267] : memref<10240x128xf32, #tpu.memory_space<vmem_shared>> -> memref<10240x128xf32, #tpu.memory_space<vmem_shared>>
        tpu.enqueue_indirect_dma source(%dma_start3A_262 : memref<80x128xf32, #tpu.memory_space<vmem>>) target(%dma_start3A_268 : memref<10240x128xf32, #tpu.memory_space<vmem_shared>>) offsets(%dma_start3A_265 : memref<80xi32, #tpu.memory_space<vmem>>) semaphore(%arg26 : memref<!tpu.dma_semaphore, #tpu.memory_space<semaphore_mem>>) {add = true}
        %get3A = arith.constant 2 : i32
        %get3A_269 = arith.index_cast %get3A : i32 to index
        %get3A_270 = arith.constant 0 : index
        %get3A_271 = tpu.vector_load %arg9[%get3A_269, %get3A_270] {strides = array<i32>} : memref<6x80xi32, #tpu.memory_space<vmem>>, vector<16xi32>,
        tpu.vector_store_idx %arg13[%get3A_271], %broadcast_in_dim3A_5 {add = true} : memref<10240xf32, #tpu.memory_space<vmem>>[vector<16xi32>], vector<16xf32>,
        %get3A_272 = arith.constant 2 : i32
        %get3A_273 = arith.index_cast %get3A_272 : i32 to index
        %get3A_274 = arith.constant 16 : index
        %get3A_275 = tpu.vector_load %arg9[%get3A_273, %get3A_274] {strides = array<i32>} : memref<6x80xi32, #tpu.memory_space<vmem>>, vector<16xi32>,
        tpu.vector_store_idx %arg13[%get3A_275], %broadcast_in_dim3A_5 {add = true} : memref<10240xf32, #tpu.memory_space<vmem>>[vector<16xi32>], vector<16xf32>,
        %get3A_276 = arith.constant 2 : i32
        %get3A_277 = arith.index_cast %get3A_276 : i32 to index
        %get3A_278 = arith.constant 32 : index
        %get3A_279 = tpu.vector_load %arg9[%get3A_277, %get3A_278] {strides = array<i32>} : memref<6x80xi32, #tpu.memory_space<vmem>>, vector<16xi32>,
        tpu.vector_store_idx %arg13[%get3A_279], %broadcast_in_dim3A_5 {add = true} : memref<10240xf32, #tpu.memory_space<vmem>>[vector<16xi32>], vector<16xf32>,
        %get3A_280 = arith.constant 2 : i32
        %get3A_281 = arith.index_cast %get3A_280 : i32 to index
        %get3A_282 = arith.constant 48 : index
        %get3A_283 = tpu.vector_load %arg9[%get3A_281, %get3A_282] {strides = array<i32>} : memref<6x80xi32, #tpu.memory_space<vmem>>, vector<16xi32>,
        tpu.vector_store_idx %arg13[%get3A_283], %broadcast_in_dim3A_5 {add = true} : memref<10240xf32, #tpu.memory_space<vmem>>[vector<16xi32>], vector<16xf32>,
        %get3A_284 = arith.constant 2 : i32
        %get3A_285 = arith.index_cast %get3A_284 : i32 to index
        %get3A_286 = arith.constant 64 : index
        %get3A_287 = tpu.vector_load %arg9[%get3A_285, %get3A_286] {strides = array<i32>} : memref<6x80xi32, #tpu.memory_space<vmem>>, vector<16xi32>,
        tpu.vector_store_idx %arg13[%get3A_287], %broadcast_in_dim3A_5 {add = true} : memref<10240xf32, #tpu.memory_space<vmem>>[vector<16xi32>], vector<16xf32>,
        %lt3A_288 = arith.constant 121 : i32
        %lt3A_289 = arith.cmpi slt, %scan3A_205, %lt3A_288 : i32
        %convert_element_type3A_290 = arith.extui %lt3A_289 : i1 to i32
        %cond3A_291 = arith.constant 0 : i32
        %cond3A_292 = arith.cmpi ne, %convert_element_type3A_290, %cond3A_291 : i32
        scf.if %cond3A_292 {
          %add3A_293 = arith.constant 4 : i32
          %add3A_294 = arith.addi %scan3A_205, %add3A_293 : i32
          %mul3A_295 = arith.constant 80 : i32
          %mul3A_296 = arith.muli %add3A_294, %mul3A_295 : i32
          %add3A_297 = arith.addi %mul3A_2, %mul3A_296 : i32
          %dma_start3A_298 = arith.constant 0 : i32
          %dma_start3A_299 = arith.constant 0 : i32
          %dma_start3A_300 = tpu.memref_slice %arg9[%dma_start3A_298, %dma_start3A_299] : memref<6x80xi32, #tpu.memory_space<vmem>> -> memref<1x80xi32, #tpu.memory_space<vmem>>
          %dma_start3A_301 = tpu.memref_squeeze %dma_start3A_300 : memref<1x80xi32, #tpu.memory_space<vmem>> -> memref<80xi32, #tpu.memory_space<vmem>>
          %dma_start3A_302 = tpu.memref_slice %arg3[%add3A_297] : memref<320000xi32, #tpu.memory_space<hbm>> -> memref<80xi32, #tpu.memory_space<hbm>>
          %dma_start3A_303 = arith.constant 0 : i32
          %dma_start3A_304 = tpu.memref_slice %arg9[%dma_start3A_298, %dma_start3A_303] : memref<6x80xi32, #tpu.memory_space<vmem>> -> memref<1x80xi32, #tpu.memory_space<vmem>>
          %dma_start3A_305 = tpu.memref_squeeze %dma_start3A_304 : memref<1x80xi32, #tpu.memory_space<vmem>> -> memref<80xi32, #tpu.memory_space<vmem>>
          %dma_start3A_306 = tpu.memref_slice %arg3[%add3A_297] : memref<320000xi32, #tpu.memory_space<hbm>> -> memref<80xi32, #tpu.memory_space<hbm>>
          tpu.enqueue_dma source(%dma_start3A_306 : memref<80xi32, #tpu.memory_space<hbm>>) target(%dma_start3A_305 : memref<80xi32, #tpu.memory_space<vmem>>) target_semaphore(%arg18 : memref<!tpu.dma_semaphore, #tpu.memory_space<semaphore_mem>>)
          %dma_start3A_307 = arith.constant 0 : i32
          %dma_start3A_308 = arith.constant 0 : i32
          %dma_start3A_309 = tpu.memref_slice %arg10[%dma_start3A_307, %dma_start3A_308] : memref<6x80xi32, #tpu.memory_space<vmem>> -> memref<1x80xi32, #tpu.memory_space<vmem>>
          %dma_start3A_310 = tpu.memref_squeeze %dma_start3A_309 : memref<1x80xi32, #tpu.memory_space<vmem>> -> memref<80xi32, #tpu.memory_space<vmem>>
          %dma_start3A_311 = tpu.memref_slice %arg4[%add3A_297] : memref<320000xi32, #tpu.memory_space<hbm>> -> memref<80xi32, #tpu.memory_space<hbm>>
          %dma_start3A_312 = arith.constant 0 : i32
          %dma_start3A_313 = tpu.memref_slice %arg10[%dma_start3A_307, %dma_start3A_312] : memref<6x80xi32, #tpu.memory_space<vmem>> -> memref<1x80xi32, #tpu.memory_space<vmem>>
          %dma_start3A_314 = tpu.memref_squeeze %dma_start3A_313 : memref<1x80xi32, #tpu.memory_space<vmem>> -> memref<80xi32, #tpu.memory_space<vmem>>
          %dma_start3A_315 = tpu.memref_slice %arg4[%add3A_297] : memref<320000xi32, #tpu.memory_space<hbm>> -> memref<80xi32, #tpu.memory_space<hbm>>
          tpu.enqueue_dma source(%dma_start3A_315 : memref<80xi32, #tpu.memory_space<hbm>>) target(%dma_start3A_314 : memref<80xi32, #tpu.memory_space<vmem>>) target_semaphore(%arg18 : memref<!tpu.dma_semaphore, #tpu.memory_space<semaphore_mem>>)
        } else {
        }
      } else {
      }
      %eq3A_219 = arith.constant 3 : i32
      %eq3A_220 = arith.cmpi eq, %rem3A_206, %eq3A_219 : i32
      %convert_element_type3A_221 = arith.extui %eq3A_220 : i1 to i32
      %cond3A_222 = arith.constant 0 : i32
      %cond3A_223 = arith.cmpi ne, %convert_element_type3A_221, %cond3A_222 : i32
      scf.if %cond3A_223 {
        %dma_wait3A_234 = arith.constant 0 : i32
        %dma_wait3A_235 = arith.constant 0 : i32
        %dma_wait3A_236 = arith.constant 0 : i32
        %dma_wait3A_237 = tpu.memref_slice %arg11[%dma_wait3A_234, %dma_wait3A_235, %dma_wait3A_236] : memref<3x80x128xf32, #tpu.memory_space<vmem>> -> memref<1x80x128xf32, #tpu.memory_space<vmem>>
        %dma_wait3A_238 = tpu.memref_squeeze %dma_wait3A_237 : memref<1x80x128xf32, #tpu.memory_space<vmem>> -> memref<80x128xf32, #tpu.memory_space<vmem>>
        %dma_wait3A_239 = arith.constant 0 : i32
        %dma_wait3A_240 = arith.constant 0 : i32
        %dma_wait3A_241 = tpu.memref_slice %arg2[%dma_wait3A_239, %dma_wait3A_240] : memref<10000x128xf32, #tpu.memory_space<hbm>> -> memref<80x128xf32, #tpu.memory_space<hbm>>
        %dma_wait3A_242 = arith.constant 0 : i32
        %dma_wait3A_243 = arith.constant 0 : i32
        %dma_wait3A_244 = tpu.memref_slice %arg11[%dma_wait3A_234, %dma_wait3A_242, %dma_wait3A_243] : memref<3x80x128xf32, #tpu.memory_space<vmem>> -> memref<1x80x128xf32, #tpu.memory_space<vmem>>
        %dma_wait3A_245 = tpu.memref_squeeze %dma_wait3A_244 : memref<1x80x128xf32, #tpu.memory_space<vmem>> -> memref<80x128xf32, #tpu.memory_space<vmem>>
        %dma_wait3A_246 = arith.constant 0 : i32
        %dma_wait3A_247 = arith.constant 0 : i32
        %dma_wait3A_248 = tpu.memref_slice %arg2[%dma_wait3A_246, %dma_wait3A_247] : memref<10000x128xf32, #tpu.memory_space<hbm>> -> memref<80x128xf32, #tpu.memory_space<hbm>>
        tpu.wait_dma2 semaphore(%arg15 : memref<!tpu.dma_semaphore, #tpu.memory_space<semaphore_mem>>) src(%dma_wait3A_248 : memref<80x128xf32, #tpu.memory_space<hbm>>) dst(%dma_wait3A_245 : memref<80x128xf32, #tpu.memory_space<vmem>>)
        %ge3A = arith.constant 1 : i32
        %ge3A_249 = arith.cmpi sge, %scan3A_205, %ge3A : i32
        %convert_element_type3A_250 = arith.extui %ge3A_249 : i1 to i32
        %cond3A_251 = arith.constant 0 : i32
        %cond3A_252 = arith.cmpi ne, %convert_element_type3A_250, %cond3A_251 : i32
        scf.if %cond3A_252 {
          %dma_wait3A_293 = arith.constant 2 : i32
          %dma_wait3A_294 = arith.constant 0 : i32
          %dma_wait3A_295 = arith.constant 0 : i32
          %dma_wait3A_296 = tpu.memref_slice %arg11[%dma_wait3A_293, %dma_wait3A_294, %dma_wait3A_295] : memref<3x80x128xf32, #tpu.memory_space<vmem>> -> memref<1x80x128xf32, #tpu.memory_space<vmem>>
          %dma_wait3A_297 = tpu.memref_squeeze %dma_wait3A_296 : memref<1x80x128xf32, #tpu.memory_space<vmem>> -> memref<80x128xf32, #tpu.memory_space<vmem>>
          %dma_wait3A_298 = arith.constant 0 : i32
          %dma_wait3A_299 = arith.constant 0 : i32
          %dma_wait3A_300 = tpu.memref_slice %arg14[%dma_wait3A_298, %dma_wait3A_299] : memref<10240x128xf32, #tpu.memory_space<vmem_shared>> -> memref<80x128xf32, #tpu.memory_space<vmem_shared>>
          %dma_wait3A_301 = arith.constant 0 : i32
          %dma_wait3A_302 = arith.constant 0 : i32
          %dma_wait3A_303 = tpu.memref_slice %arg14[%dma_wait3A_301, %dma_wait3A_302] : memref<10240x128xf32, #tpu.memory_space<vmem_shared>> -> memref<80x128xf32, #tpu.memory_space<vmem_shared>>
          %dma_wait3A_304 = arith.constant 0 : i32
          %dma_wait3A_305 = arith.constant 0 : i32
          %dma_wait3A_306 = tpu.memref_slice %arg11[%dma_wait3A_293, %dma_wait3A_304, %dma_wait3A_305] : memref<3x80x128xf32, #tpu.memory_space<vmem>> -> memref<1x80x128xf32, #tpu.memory_space<vmem>>
          %dma_wait3A_307 = tpu.memref_squeeze %dma_wait3A_306 : memref<1x80x128xf32, #tpu.memory_space<vmem>> -> memref<80x128xf32, #tpu.memory_space<vmem>>
          tpu.wait_dma2 semaphore(%arg26 : memref<!tpu.dma_semaphore, #tpu.memory_space<semaphore_mem>>) src(%dma_wait3A_307 : memref<80x128xf32, #tpu.memory_space<vmem>>) dst(%dma_wait3A_303 : memref<80x128xf32, #tpu.memory_space<vmem_shared>>)
        } else {
        }
        %lt3A = arith.constant 123 : i32
        %lt3A_253 = arith.cmpi slt, %scan3A_205, %lt3A : i32
        %convert_element_type3A_254 = arith.extui %lt3A_253 : i1 to i32
        %cond3A_255 = arith.constant 0 : i32
        %cond3A_256 = arith.cmpi ne, %convert_element_type3A_254, %cond3A_255 : i32
        scf.if %cond3A_256 {
          %dma_wait3A_293 = arith.constant 5 : i32
          %dma_wait3A_294 = arith.constant 0 : i32
          %dma_wait3A_295 = tpu.memref_slice %arg9[%dma_wait3A_293, %dma_wait3A_294] : memref<6x80xi32, #tpu.memory_space<vmem>> -> memref<1x80xi32, #tpu.memory_space<vmem>>
          %dma_wait3A_296 = tpu.memref_squeeze %dma_wait3A_295 : memref<1x80xi32, #tpu.memory_space<vmem>> -> memref<80xi32, #tpu.memory_space<vmem>>
          %dma_wait3A_297 = arith.constant 0 : i32
          %dma_wait3A_298 = tpu.memref_slice %arg3[%dma_wait3A_297] : memref<320000xi32, #tpu.memory_space<hbm>> -> memref<80xi32, #tpu.memory_space<hbm>>
          %dma_wait3A_299 = arith.constant 0 : i32
          %dma_wait3A_300 = tpu.memref_slice %arg9[%dma_wait3A_293, %dma_wait3A_299] : memref<6x80xi32, #tpu.memory_space<vmem>> -> memref<1x80xi32, #tpu.memory_space<vmem>>
          %dma_wait3A_301 = tpu.memref_squeeze %dma_wait3A_300 : memref<1x80xi32, #tpu.memory_space<vmem>> -> memref<80xi32, #tpu.memory_space<vmem>>
          %dma_wait3A_302 = arith.constant 0 : i32
          %dma_wait3A_303 = tpu.memref_slice %arg3[%dma_wait3A_302] : memref<320000xi32, #tpu.memory_space<hbm>> -> memref<80xi32, #tpu.memory_space<hbm>>
          tpu.wait_dma2 semaphore(%arg23 : memref<!tpu.dma_semaphore, #tpu.memory_space<semaphore_mem>>) src(%dma_wait3A_303 : memref<80xi32, #tpu.memory_space<hbm>>) dst(%dma_wait3A_301 : memref<80xi32, #tpu.memory_space<vmem>>)
          %dma_wait3A_304 = arith.constant 5 : i32
          %dma_wait3A_305 = arith.constant 0 : i32
          %dma_wait3A_306 = tpu.memref_slice %arg10[%dma_wait3A_304, %dma_wait3A_305] : memref<6x80xi32, #tpu.memory_space<vmem>> -> memref<1x80xi32, #tpu.memory_space<vmem>>
          %dma_wait3A_307 = tpu.memref_squeeze %dma_wait3A_306 : memref<1x80xi32, #tpu.memory_space<vmem>> -> memref<80xi32, #tpu.memory_space<vmem>>
          %dma_wait3A_308 = arith.constant 0 : i32
          %dma_wait3A_309 = tpu.memref_slice %arg4[%dma_wait3A_308] : memref<320000xi32, #tpu.memory_space<hbm>> -> memref<80xi32, #tpu.memory_space<hbm>>
          %dma_wait3A_310 = arith.constant 0 : i32
          %dma_wait3A_311 = tpu.memref_slice %arg10[%dma_wait3A_304, %dma_wait3A_310] : memref<6x80xi32, #tpu.memory_space<vmem>> -> memref<1x80xi32, #tpu.memory_space<vmem>>
          %dma_wait3A_312 = tpu.memref_squeeze %dma_wait3A_311 : memref<1x80xi32, #tpu.memory_space<vmem>> -> memref<80xi32, #tpu.memory_space<vmem>>
          %dma_wait3A_313 = arith.constant 0 : i32
          %dma_wait3A_314 = tpu.memref_slice %arg4[%dma_wait3A_313] : memref<320000xi32, #tpu.memory_space<hbm>> -> memref<80xi32, #tpu.memory_space<hbm>>
          tpu.wait_dma2 semaphore(%arg23 : memref<!tpu.dma_semaphore, #tpu.memory_space<semaphore_mem>>) src(%dma_wait3A_314 : memref<80xi32, #tpu.memory_space<hbm>>) dst(%dma_wait3A_312 : memref<80xi32, #tpu.memory_space<vmem>>)
          %dma_start3A_315 = arith.constant 5 : i32
          %dma_start3A_316 = arith.constant 2 : i32
          %dma_start3A_317 = arith.constant 0 : i32
          %dma_start3A_318 = arith.constant 0 : i32
          %dma_start3A_319 = tpu.memref_slice %arg11[%dma_start3A_316, %dma_start3A_317, %dma_start3A_318] : memref<3x80x128xf32, #tpu.memory_space<vmem>> -> memref<1x80x128xf32, #tpu.memory_space<vmem>>
          %dma_start3A_320 = tpu.memref_squeeze %dma_start3A_319 : memref<1x80x128xf32, #tpu.memory_space<vmem>> -> memref<80x128xf32, #tpu.memory_space<vmem>>
          %dma_start3A_321 = arith.constant 0 : i32
          %dma_start3A_322 = tpu.memref_slice %arg10[%dma_start3A_315, %dma_start3A_321] : memref<6x80xi32, #tpu.memory_space<vmem>> -> memref<1x80xi32, #tpu.memory_space<vmem>>
          %dma_start3A_323 = tpu.memref_squeeze %dma_start3A_322 : memref<1x80xi32, #tpu.memory_space<vmem>> -> memref<80xi32, #tpu.memory_space<vmem>>
          %dma_start3A_324 = arith.constant 0 : i32
          %dma_start3A_325 = arith.constant 0 : i32
          %dma_start3A_326 = tpu.memref_slice %arg2[%dma_start3A_324, %dma_start3A_325] : memref<10000x128xf32, #tpu.memory_space<hbm>> -> memref<10000x128xf32, #tpu.memory_space<hbm>>
          tpu.enqueue_indirect_dma source(%dma_start3A_326 : memref<10000x128xf32, #tpu.memory_space<hbm>>) target(%dma_start3A_320 : memref<80x128xf32, #tpu.memory_space<vmem>>) offsets(%dma_start3A_323 : memref<80xi32, #tpu.memory_space<vmem>>) semaphore(%arg17 : memref<!tpu.dma_semaphore, #tpu.memory_space<semaphore_mem>>)
        } else {
        }
        %dma_start3A_257 = arith.constant 0 : i32
        %dma_start3A_258 = arith.constant 3 : i32
        %dma_start3A_259 = arith.constant 0 : i32
        %dma_start3A_260 = arith.constant 0 : i32
        %dma_start3A_261 = tpu.memref_slice %arg11[%dma_start3A_257, %dma_start3A_259, %dma_start3A_260] : memref<3x80x128xf32, #tpu.memory_space<vmem>> -> memref<1x80x128xf32, #tpu.memory_space<vmem>>
        %dma_start3A_262 = tpu.memref_squeeze %dma_start3A_261 : memref<1x80x128xf32, #tpu.memory_space<vmem>> -> memref<80x128xf32, #tpu.memory_space<vmem>>
        %dma_start3A_263 = arith.constant 0 : i32
        %dma_start3A_264 = tpu.memref_slice %arg9[%dma_start3A_258, %dma_start3A_263] : memref<6x80xi32, #tpu.memory_space<vmem>> -> memref<1x80xi32, #tpu.memory_space<vmem>>
        %dma_start3A_265 = tpu.memref_squeeze %dma_start3A_264 : memref<1x80xi32, #tpu.memory_space<vmem>> -> memref<80xi32, #tpu.memory_space<vmem>>
        %dma_start3A_266 = arith.constant 0 : i32
        %dma_start3A_267 = arith.constant 0 : i32
        %dma_start3A_268 = tpu.memref_slice %arg14[%dma_start3A_266, %dma_start3A_267] : memref<10240x128xf32, #tpu.memory_space<vmem_shared>> -> memref<10240x128xf32, #tpu.memory_space<vmem_shared>>
        tpu.enqueue_indirect_dma source(%dma_start3A_262 : memref<80x128xf32, #tpu.memory_space<vmem>>) target(%dma_start3A_268 : memref<10240x128xf32, #tpu.memory_space<vmem_shared>>) offsets(%dma_start3A_265 : memref<80xi32, #tpu.memory_space<vmem>>) semaphore(%arg24 : memref<!tpu.dma_semaphore, #tpu.memory_space<semaphore_mem>>) {add = true}
        %get3A = arith.constant 3 : i32
        %get3A_269 = arith.index_cast %get3A : i32 to index
        %get3A_270 = arith.constant 0 : index
        %get3A_271 = tpu.vector_load %arg9[%get3A_269, %get3A_270] {strides = array<i32>} : memref<6x80xi32, #tpu.memory_space<vmem>>, vector<16xi32>,
        tpu.vector_store_idx %arg13[%get3A_271], %broadcast_in_dim3A_5 {add = true} : memref<10240xf32, #tpu.memory_space<vmem>>[vector<16xi32>], vector<16xf32>,
        %get3A_272 = arith.constant 3 : i32
        %get3A_273 = arith.index_cast %get3A_272 : i32 to index
        %get3A_274 = arith.constant 16 : index
        %get3A_275 = tpu.vector_load %arg9[%get3A_273, %get3A_274] {strides = array<i32>} : memref<6x80xi32, #tpu.memory_space<vmem>>, vector<16xi32>,
        tpu.vector_store_idx %arg13[%get3A_275], %broadcast_in_dim3A_5 {add = true} : memref<10240xf32, #tpu.memory_space<vmem>>[vector<16xi32>], vector<16xf32>,
        %get3A_276 = arith.constant 3 : i32
        %get3A_277 = arith.index_cast %get3A_276 : i32 to index
        %get3A_278 = arith.constant 32 : index
        %get3A_279 = tpu.vector_load %arg9[%get3A_277, %get3A_278] {strides = array<i32>} : memref<6x80xi32, #tpu.memory_space<vmem>>, vector<16xi32>,
        tpu.vector_store_idx %arg13[%get3A_279], %broadcast_in_dim3A_5 {add = true} : memref<10240xf32, #tpu.memory_space<vmem>>[vector<16xi32>], vector<16xf32>,
        %get3A_280 = arith.constant 3 : i32
        %get3A_281 = arith.index_cast %get3A_280 : i32 to index
        %get3A_282 = arith.constant 48 : index
        %get3A_283 = tpu.vector_load %arg9[%get3A_281, %get3A_282] {strides = array<i32>} : memref<6x80xi32, #tpu.memory_space<vmem>>, vector<16xi32>,
        tpu.vector_store_idx %arg13[%get3A_283], %broadcast_in_dim3A_5 {add = true} : memref<10240xf32, #tpu.memory_space<vmem>>[vector<16xi32>], vector<16xf32>,
        %get3A_284 = arith.constant 3 : i32
        %get3A_285 = arith.index_cast %get3A_284 : i32 to index
        %get3A_286 = arith.constant 64 : index
        %get3A_287 = tpu.vector_load %arg9[%get3A_285, %get3A_286] {strides = array<i32>} : memref<6x80xi32, #tpu.memory_space<vmem>>, vector<16xi32>,
        tpu.vector_store_idx %arg13[%get3A_287], %broadcast_in_dim3A_5 {add = true} : memref<10240xf32, #tpu.memory_space<vmem>>[vector<16xi32>], vector<16xf32>,
        %lt3A_288 = arith.constant 121 : i32
        %lt3A_289 = arith.cmpi slt, %scan3A_205, %lt3A_288 : i32
        %convert_element_type3A_290 = arith.extui %lt3A_289 : i1 to i32
        %cond3A_291 = arith.constant 0 : i32
        %cond3A_292 = arith.cmpi ne, %convert_element_type3A_290, %cond3A_291 : i32
        scf.if %cond3A_292 {
          %add3A_293 = arith.constant 4 : i32
          %add3A_294 = arith.addi %scan3A_205, %add3A_293 : i32
          %mul3A_295 = arith.constant 80 : i32
          %mul3A_296 = arith.muli %add3A_294, %mul3A_295 : i32
          %add3A_297 = arith.addi %mul3A_2, %mul3A_296 : i32
          %dma_start3A_298 = arith.constant 1 : i32
          %dma_start3A_299 = arith.constant 0 : i32
          %dma_start3A_300 = tpu.memref_slice %arg9[%dma_start3A_298, %dma_start3A_299] : memref<6x80xi32, #tpu.memory_space<vmem>> -> memref<1x80xi32, #tpu.memory_space<vmem>>
          %dma_start3A_301 = tpu.memref_squeeze %dma_start3A_300 : memref<1x80xi32, #tpu.memory_space<vmem>> -> memref<80xi32, #tpu.memory_space<vmem>>
          %dma_start3A_302 = tpu.memref_slice %arg3[%add3A_297] : memref<320000xi32, #tpu.memory_space<hbm>> -> memref<80xi32, #tpu.memory_space<hbm>>
          %dma_start3A_303 = arith.constant 0 : i32
          %dma_start3A_304 = tpu.memref_slice %arg9[%dma_start3A_298, %dma_start3A_303] : memref<6x80xi32, #tpu.memory_space<vmem>> -> memref<1x80xi32, #tpu.memory_space<vmem>>
          %dma_start3A_305 = tpu.memref_squeeze %dma_start3A_304 : memref<1x80xi32, #tpu.memory_space<vmem>> -> memref<80xi32, #tpu.memory_space<vmem>>
          %dma_start3A_306 = tpu.memref_slice %arg3[%add3A_297] : memref<320000xi32, #tpu.memory_space<hbm>> -> memref<80xi32, #tpu.memory_space<hbm>>
          tpu.enqueue_dma source(%dma_start3A_306 : memref<80xi32, #tpu.memory_space<hbm>>) target(%dma_start3A_305 : memref<80xi32, #tpu.memory_space<vmem>>) target_semaphore(%arg19 : memref<!tpu.dma_semaphore, #tpu.memory_space<semaphore_mem>>)
          %dma_start3A_307 = arith.constant 1 : i32
          %dma_start3A_308 = arith.constant 0 : i32
          %dma_start3A_309 = tpu.memref_slice %arg10[%dma_start3A_307, %dma_start3A_308] : memref<6x80xi32, #tpu.memory_space<vmem>> -> memref<1x80xi32, #tpu.memory_space<vmem>>
          %dma_start3A_310 = tpu.memref_squeeze %dma_start3A_309 : memref<1x80xi32, #tpu.memory_space<vmem>> -> memref<80xi32, #tpu.memory_space<vmem>>
          %dma_start3A_311 = tpu.memref_slice %arg4[%add3A_297] : memref<320000xi32, #tpu.memory_space<hbm>> -> memref<80xi32, #tpu.memory_space<hbm>>
          %dma_start3A_312 = arith.constant 0 : i32
          %dma_start3A_313 = tpu.memref_slice %arg10[%dma_start3A_307, %dma_start3A_312] : memref<6x80xi32, #tpu.memory_space<vmem>> -> memref<1x80xi32, #tpu.memory_space<vmem>>
          %dma_start3A_314 = tpu.memref_squeeze %dma_start3A_313 : memref<1x80xi32, #tpu.memory_space<vmem>> -> memref<80xi32, #tpu.memory_space<vmem>>
          %dma_start3A_315 = tpu.memref_slice %arg4[%add3A_297] : memref<320000xi32, #tpu.memory_space<hbm>> -> memref<80xi32, #tpu.memory_space<hbm>>
          tpu.enqueue_dma source(%dma_start3A_315 : memref<80xi32, #tpu.memory_space<hbm>>) target(%dma_start3A_314 : memref<80xi32, #tpu.memory_space<vmem>>) target_semaphore(%arg19 : memref<!tpu.dma_semaphore, #tpu.memory_space<semaphore_mem>>)
        } else {
        }
      } else {
      }
      %eq3A_224 = arith.constant 4 : i32
      %eq3A_225 = arith.cmpi eq, %rem3A_206, %eq3A_224 : i32
      %convert_element_type3A_226 = arith.extui %eq3A_225 : i1 to i32
      %cond3A_227 = arith.constant 0 : i32
      %cond3A_228 = arith.cmpi ne, %convert_element_type3A_226, %cond3A_227 : i32
      scf.if %cond3A_228 {
        %dma_wait3A_234 = arith.constant 1 : i32
        %dma_wait3A_235 = arith.constant 0 : i32
        %dma_wait3A_236 = arith.constant 0 : i32
        %dma_wait3A_237 = tpu.memref_slice %arg11[%dma_wait3A_234, %dma_wait3A_235, %dma_wait3A_236] : memref<3x80x128xf32, #tpu.memory_space<vmem>> -> memref<1x80x128xf32, #tpu.memory_space<vmem>>
        %dma_wait3A_238 = tpu.memref_squeeze %dma_wait3A_237 : memref<1x80x128xf32, #tpu.memory_space<vmem>> -> memref<80x128xf32, #tpu.memory_space<vmem>>
        %dma_wait3A_239 = arith.constant 0 : i32
        %dma_wait3A_240 = arith.constant 0 : i32
        %dma_wait3A_241 = tpu.memref_slice %arg2[%dma_wait3A_239, %dma_wait3A_240] : memref<10000x128xf32, #tpu.memory_space<hbm>> -> memref<80x128xf32, #tpu.memory_space<hbm>>
        %dma_wait3A_242 = arith.constant 0 : i32
        %dma_wait3A_243 = arith.constant 0 : i32
        %dma_wait3A_244 = tpu.memref_slice %arg11[%dma_wait3A_234, %dma_wait3A_242, %dma_wait3A_243] : memref<3x80x128xf32, #tpu.memory_space<vmem>> -> memref<1x80x128xf32, #tpu.memory_space<vmem>>
        %dma_wait3A_245 = tpu.memref_squeeze %dma_wait3A_244 : memref<1x80x128xf32, #tpu.memory_space<vmem>> -> memref<80x128xf32, #tpu.memory_space<vmem>>
        %dma_wait3A_246 = arith.constant 0 : i32
        %dma_wait3A_247 = arith.constant 0 : i32
        %dma_wait3A_248 = tpu.memref_slice %arg2[%dma_wait3A_246, %dma_wait3A_247] : memref<10000x128xf32, #tpu.memory_space<hbm>> -> memref<80x128xf32, #tpu.memory_space<hbm>>
        tpu.wait_dma2 semaphore(%arg16 : memref<!tpu.dma_semaphore, #tpu.memory_space<semaphore_mem>>) src(%dma_wait3A_248 : memref<80x128xf32, #tpu.memory_space<hbm>>) dst(%dma_wait3A_245 : memref<80x128xf32, #tpu.memory_space<vmem>>)
        %ge3A = arith.constant 1 : i32
        %ge3A_249 = arith.cmpi sge, %scan3A_205, %ge3A : i32
        %convert_element_type3A_250 = arith.extui %ge3A_249 : i1 to i32
        %cond3A_251 = arith.constant 0 : i32
        %cond3A_252 = arith.cmpi ne, %convert_element_type3A_250, %cond3A_251 : i32
        scf.if %cond3A_252 {
          %dma_wait3A_293 = arith.constant 0 : i32
          %dma_wait3A_294 = arith.constant 0 : i32
          %dma_wait3A_295 = arith.constant 0 : i32
          %dma_wait3A_296 = tpu.memref_slice %arg11[%dma_wait3A_293, %dma_wait3A_294, %dma_wait3A_295] : memref<3x80x128xf32, #tpu.memory_space<vmem>> -> memref<1x80x128xf32, #tpu.memory_space<vmem>>
          %dma_wait3A_297 = tpu.memref_squeeze %dma_wait3A_296 : memref<1x80x128xf32, #tpu.memory_space<vmem>> -> memref<80x128xf32, #tpu.memory_space<vmem>>
          %dma_wait3A_298 = arith.constant 0 : i32
          %dma_wait3A_299 = arith.constant 0 : i32
          %dma_wait3A_300 = tpu.memref_slice %arg14[%dma_wait3A_298, %dma_wait3A_299] : memref<10240x128xf32, #tpu.memory_space<vmem_shared>> -> memref<80x128xf32, #tpu.memory_space<vmem_shared>>
          %dma_wait3A_301 = arith.constant 0 : i32
          %dma_wait3A_302 = arith.constant 0 : i32
          %dma_wait3A_303 = tpu.memref_slice %arg14[%dma_wait3A_301, %dma_wait3A_302] : memref<10240x128xf32, #tpu.memory_space<vmem_shared>> -> memref<80x128xf32, #tpu.memory_space<vmem_shared>>
          %dma_wait3A_304 = arith.constant 0 : i32
          %dma_wait3A_305 = arith.constant 0 : i32
          %dma_wait3A_306 = tpu.memref_slice %arg11[%dma_wait3A_293, %dma_wait3A_304, %dma_wait3A_305] : memref<3x80x128xf32, #tpu.memory_space<vmem>> -> memref<1x80x128xf32, #tpu.memory_space<vmem>>
          %dma_wait3A_307 = tpu.memref_squeeze %dma_wait3A_306 : memref<1x80x128xf32, #tpu.memory_space<vmem>> -> memref<80x128xf32, #tpu.memory_space<vmem>>
          tpu.wait_dma2 semaphore(%arg24 : memref<!tpu.dma_semaphore, #tpu.memory_space<semaphore_mem>>) src(%dma_wait3A_307 : memref<80x128xf32, #tpu.memory_space<vmem>>) dst(%dma_wait3A_303 : memref<80x128xf32, #tpu.memory_space<vmem_shared>>)
        } else {
        }
        %lt3A = arith.constant 123 : i32
        %lt3A_253 = arith.cmpi slt, %scan3A_205, %lt3A : i32
        %convert_element_type3A_254 = arith.extui %lt3A_253 : i1 to i32
        %cond3A_255 = arith.constant 0 : i32
        %cond3A_256 = arith.cmpi ne, %convert_element_type3A_254, %cond3A_255 : i32
        scf.if %cond3A_256 {
          %dma_wait3A_293 = arith.constant 0 : i32
          %dma_wait3A_294 = arith.constant 0 : i32
          %dma_wait3A_295 = tpu.memref_slice %arg9[%dma_wait3A_293, %dma_wait3A_294] : memref<6x80xi32, #tpu.memory_space<vmem>> -> memref<1x80xi32, #tpu.memory_space<vmem>>
          %dma_wait3A_296 = tpu.memref_squeeze %dma_wait3A_295 : memref<1x80xi32, #tpu.memory_space<vmem>> -> memref<80xi32, #tpu.memory_space<vmem>>
          %dma_wait3A_297 = arith.constant 0 : i32
          %dma_wait3A_298 = tpu.memref_slice %arg3[%dma_wait3A_297] : memref<320000xi32, #tpu.memory_space<hbm>> -> memref<80xi32, #tpu.memory_space<hbm>>
          %dma_wait3A_299 = arith.constant 0 : i32
          %dma_wait3A_300 = tpu.memref_slice %arg9[%dma_wait3A_293, %dma_wait3A_299] : memref<6x80xi32, #tpu.memory_space<vmem>> -> memref<1x80xi32, #tpu.memory_space<vmem>>
          %dma_wait3A_301 = tpu.memref_squeeze %dma_wait3A_300 : memref<1x80xi32, #tpu.memory_space<vmem>> -> memref<80xi32, #tpu.memory_space<vmem>>
          %dma_wait3A_302 = arith.constant 0 : i32
          %dma_wait3A_303 = tpu.memref_slice %arg3[%dma_wait3A_302] : memref<320000xi32, #tpu.memory_space<hbm>> -> memref<80xi32, #tpu.memory_space<hbm>>
          tpu.wait_dma2 semaphore(%arg18 : memref<!tpu.dma_semaphore, #tpu.memory_space<semaphore_mem>>) src(%dma_wait3A_303 : memref<80xi32, #tpu.memory_space<hbm>>) dst(%dma_wait3A_301 : memref<80xi32, #tpu.memory_space<vmem>>)
          %dma_wait3A_304 = arith.constant 0 : i32
          %dma_wait3A_305 = arith.constant 0 : i32
          %dma_wait3A_306 = tpu.memref_slice %arg10[%dma_wait3A_304, %dma_wait3A_305] : memref<6x80xi32, #tpu.memory_space<vmem>> -> memref<1x80xi32, #tpu.memory_space<vmem>>
          %dma_wait3A_307 = tpu.memref_squeeze %dma_wait3A_306 : memref<1x80xi32, #tpu.memory_space<vmem>> -> memref<80xi32, #tpu.memory_space<vmem>>
          %dma_wait3A_308 = arith.constant 0 : i32
          %dma_wait3A_309 = tpu.memref_slice %arg4[%dma_wait3A_308] : memref<320000xi32, #tpu.memory_space<hbm>> -> memref<80xi32, #tpu.memory_space<hbm>>
          %dma_wait3A_310 = arith.constant 0 : i32
          %dma_wait3A_311 = tpu.memref_slice %arg10[%dma_wait3A_304, %dma_wait3A_310] : memref<6x80xi32, #tpu.memory_space<vmem>> -> memref<1x80xi32, #tpu.memory_space<vmem>>
          %dma_wait3A_312 = tpu.memref_squeeze %dma_wait3A_311 : memref<1x80xi32, #tpu.memory_space<vmem>> -> memref<80xi32, #tpu.memory_space<vmem>>
          %dma_wait3A_313 = arith.constant 0 : i32
          %dma_wait3A_314 = tpu.memref_slice %arg4[%dma_wait3A_313] : memref<320000xi32, #tpu.memory_space<hbm>> -> memref<80xi32, #tpu.memory_space<hbm>>
          tpu.wait_dma2 semaphore(%arg18 : memref<!tpu.dma_semaphore, #tpu.memory_space<semaphore_mem>>) src(%dma_wait3A_314 : memref<80xi32, #tpu.memory_space<hbm>>) dst(%dma_wait3A_312 : memref<80xi32, #tpu.memory_space<vmem>>)
          %dma_start3A_315 = arith.constant 0 : i32
          %dma_start3A_316 = arith.constant 0 : i32
          %dma_start3A_317 = arith.constant 0 : i32
          %dma_start3A_318 = arith.constant 0 : i32
          %dma_start3A_319 = tpu.memref_slice %arg11[%dma_start3A_316, %dma_start3A_317, %dma_start3A_318] : memref<3x80x128xf32, #tpu.memory_space<vmem>> -> memref<1x80x128xf32, #tpu.memory_space<vmem>>
          %dma_start3A_320 = tpu.memref_squeeze %dma_start3A_319 : memref<1x80x128xf32, #tpu.memory_space<vmem>> -> memref<80x128xf32, #tpu.memory_space<vmem>>
          %dma_start3A_321 = arith.constant 0 : i32
          %dma_start3A_322 = tpu.memref_slice %arg10[%dma_start3A_315, %dma_start3A_321] : memref<6x80xi32, #tpu.memory_space<vmem>> -> memref<1x80xi32, #tpu.memory_space<vmem>>
          %dma_start3A_323 = tpu.memref_squeeze %dma_start3A_322 : memref<1x80xi32, #tpu.memory_space<vmem>> -> memref<80xi32, #tpu.memory_space<vmem>>
          %dma_start3A_324 = arith.constant 0 : i32
          %dma_start3A_325 = arith.constant 0 : i32
          %dma_start3A_326 = tpu.memref_slice %arg2[%dma_start3A_324, %dma_start3A_325] : memref<10000x128xf32, #tpu.memory_space<hbm>> -> memref<10000x128xf32, #tpu.memory_space<hbm>>
          tpu.enqueue_indirect_dma source(%dma_start3A_326 : memref<10000x128xf32, #tpu.memory_space<hbm>>) target(%dma_start3A_320 : memref<80x128xf32, #tpu.memory_space<vmem>>) offsets(%dma_start3A_323 : memref<80xi32, #tpu.memory_space<vmem>>) semaphore(%arg15 : memref<!tpu.dma_semaphore, #tpu.memory_space<semaphore_mem>>)
        } else {
        }
        %dma_start3A_257 = arith.constant 1 : i32
        %dma_start3A_258 = arith.constant 4 : i32
        %dma_start3A_259 = arith.constant 0 : i32
        %dma_start3A_260 = arith.constant 0 : i32
        %dma_start3A_261 = tpu.memref_slice %arg11[%dma_start3A_257, %dma_start3A_259, %dma_start3A_260] : memref<3x80x128xf32, #tpu.memory_space<vmem>> -> memref<1x80x128xf32, #tpu.memory_space<vmem>>
        %dma_start3A_262 = tpu.memref_squeeze %dma_start3A_261 : memref<1x80x128xf32, #tpu.memory_space<vmem>> -> memref<80x128xf32, #tpu.memory_space<vmem>>
        %dma_start3A_263 = arith.constant 0 : i32
        %dma_start3A_264 = tpu.memref_slice %arg9[%dma_start3A_258, %dma_start3A_263] : memref<6x80xi32, #tpu.memory_space<vmem>> -> memref<1x80xi32, #tpu.memory_space<vmem>>
        %dma_start3A_265 = tpu.memref_squeeze %dma_start3A_264 : memref<1x80xi32, #tpu.memory_space<vmem>> -> memref<80xi32, #tpu.memory_space<vmem>>
        %dma_start3A_266 = arith.constant 0 : i32
        %dma_start3A_267 = arith.constant 0 : i32
        %dma_start3A_268 = tpu.memref_slice %arg14[%dma_start3A_266, %dma_start3A_267] : memref<10240x128xf32, #tpu.memory_space<vmem_shared>> -> memref<10240x128xf32, #tpu.memory_space<vmem_shared>>
        tpu.enqueue_indirect_dma source(%dma_start3A_262 : memref<80x128xf32, #tpu.memory_space<vmem>>) target(%dma_start3A_268 : memref<10240x128xf32, #tpu.memory_space<vmem_shared>>) offsets(%dma_start3A_265 : memref<80xi32, #tpu.memory_space<vmem>>) semaphore(%arg25 : memref<!tpu.dma_semaphore, #tpu.memory_space<semaphore_mem>>) {add = true}
        %get3A = arith.constant 4 : i32
        %get3A_269 = arith.index_cast %get3A : i32 to index
        %get3A_270 = arith.constant 0 : index
        %get3A_271 = tpu.vector_load %arg9[%get3A_269, %get3A_270] {strides = array<i32>} : memref<6x80xi32, #tpu.memory_space<vmem>>, vector<16xi32>,
        tpu.vector_store_idx %arg13[%get3A_271], %broadcast_in_dim3A_5 {add = true} : memref<10240xf32, #tpu.memory_space<vmem>>[vector<16xi32>], vector<16xf32>,
        %get3A_272 = arith.constant 4 : i32
        %get3A_273 = arith.index_cast %get3A_272 : i32 to index
        %get3A_274 = arith.constant 16 : index
        %get3A_275 = tpu.vector_load %arg9[%get3A_273, %get3A_274] {strides = array<i32>} : memref<6x80xi32, #tpu.memory_space<vmem>>, vector<16xi32>,
        tpu.vector_store_idx %arg13[%get3A_275], %broadcast_in_dim3A_5 {add = true} : memref<10240xf32, #tpu.memory_space<vmem>>[vector<16xi32>], vector<16xf32>,
        %get3A_276 = arith.constant 4 : i32
        %get3A_277 = arith.index_cast %get3A_276 : i32 to index
        %get3A_278 = arith.constant 32 : index
        %get3A_279 = tpu.vector_load %arg9[%get3A_277, %get3A_278] {strides = array<i32>} : memref<6x80xi32, #tpu.memory_space<vmem>>, vector<16xi32>,
        tpu.vector_store_idx %arg13[%get3A_279], %broadcast_in_dim3A_5 {add = true} : memref<10240xf32, #tpu.memory_space<vmem>>[vector<16xi32>], vector<16xf32>,
        %get3A_280 = arith.constant 4 : i32
        %get3A_281 = arith.index_cast %get3A_280 : i32 to index
        %get3A_282 = arith.constant 48 : index
        %get3A_283 = tpu.vector_load %arg9[%get3A_281, %get3A_282] {strides = array<i32>} : memref<6x80xi32, #tpu.memory_space<vmem>>, vector<16xi32>,
        tpu.vector_store_idx %arg13[%get3A_283], %broadcast_in_dim3A_5 {add = true} : memref<10240xf32, #tpu.memory_space<vmem>>[vector<16xi32>], vector<16xf32>,
        %get3A_284 = arith.constant 4 : i32
        %get3A_285 = arith.index_cast %get3A_284 : i32 to index
        %get3A_286 = arith.constant 64 : index
        %get3A_287 = tpu.vector_load %arg9[%get3A_285, %get3A_286] {strides = array<i32>} : memref<6x80xi32, #tpu.memory_space<vmem>>, vector<16xi32>,
        tpu.vector_store_idx %arg13[%get3A_287], %broadcast_in_dim3A_5 {add = true} : memref<10240xf32, #tpu.memory_space<vmem>>[vector<16xi32>], vector<16xf32>,
        %lt3A_288 = arith.constant 121 : i32
        %lt3A_289 = arith.cmpi slt, %scan3A_205, %lt3A_288 : i32
        %convert_element_type3A_290 = arith.extui %lt3A_289 : i1 to i32
        %cond3A_291 = arith.constant 0 : i32
        %cond3A_292 = arith.cmpi ne, %convert_element_type3A_290, %cond3A_291 : i32
        scf.if %cond3A_292 {
          %add3A_293 = arith.constant 4 : i32
          %add3A_294 = arith.addi %scan3A_205, %add3A_293 : i32
          %mul3A_295 = arith.constant 80 : i32
          %mul3A_296 = arith.muli %add3A_294, %mul3A_295 : i32
          %add3A_297 = arith.addi %mul3A_2, %mul3A_296 : i32
          %dma_start3A_298 = arith.constant 2 : i32
          %dma_start3A_299 = arith.constant 0 : i32
          %dma_start3A_300 = tpu.memref_slice %arg9[%dma_start3A_298, %dma_start3A_299] : memref<6x80xi32, #tpu.memory_space<vmem>> -> memref<1x80xi32, #tpu.memory_space<vmem>>
          %dma_start3A_301 = tpu.memref_squeeze %dma_start3A_300 : memref<1x80xi32, #tpu.memory_space<vmem>> -> memref<80xi32, #tpu.memory_space<vmem>>
          %dma_start3A_302 = tpu.memref_slice %arg3[%add3A_297] : memref<320000xi32, #tpu.memory_space<hbm>> -> memref<80xi32, #tpu.memory_space<hbm>>
          %dma_start3A_303 = arith.constant 0 : i32
          %dma_start3A_304 = tpu.memref_slice %arg9[%dma_start3A_298, %dma_start3A_303] : memref<6x80xi32, #tpu.memory_space<vmem>> -> memref<1x80xi32, #tpu.memory_space<vmem>>
          %dma_start3A_305 = tpu.memref_squeeze %dma_start3A_304 : memref<1x80xi32, #tpu.memory_space<vmem>> -> memref<80xi32, #tpu.memory_space<vmem>>
          %dma_start3A_306 = tpu.memref_slice %arg3[%add3A_297] : memref<320000xi32, #tpu.memory_space<hbm>> -> memref<80xi32, #tpu.memory_space<hbm>>
          tpu.enqueue_dma source(%dma_start3A_306 : memref<80xi32, #tpu.memory_space<hbm>>) target(%dma_start3A_305 : memref<80xi32, #tpu.memory_space<vmem>>) target_semaphore(%arg20 : memref<!tpu.dma_semaphore, #tpu.memory_space<semaphore_mem>>)
          %dma_start3A_307 = arith.constant 2 : i32
          %dma_start3A_308 = arith.constant 0 : i32
          %dma_start3A_309 = tpu.memref_slice %arg10[%dma_start3A_307, %dma_start3A_308] : memref<6x80xi32, #tpu.memory_space<vmem>> -> memref<1x80xi32, #tpu.memory_space<vmem>>
          %dma_start3A_310 = tpu.memref_squeeze %dma_start3A_309 : memref<1x80xi32, #tpu.memory_space<vmem>> -> memref<80xi32, #tpu.memory_space<vmem>>
          %dma_start3A_311 = tpu.memref_slice %arg4[%add3A_297] : memref<320000xi32, #tpu.memory_space<hbm>> -> memref<80xi32, #tpu.memory_space<hbm>>
          %dma_start3A_312 = arith.constant 0 : i32
          %dma_start3A_313 = tpu.memref_slice %arg10[%dma_start3A_307, %dma_start3A_312] : memref<6x80xi32, #tpu.memory_space<vmem>> -> memref<1x80xi32, #tpu.memory_space<vmem>>
          %dma_start3A_314 = tpu.memref_squeeze %dma_start3A_313 : memref<1x80xi32, #tpu.memory_space<vmem>> -> memref<80xi32, #tpu.memory_space<vmem>>
          %dma_start3A_315 = tpu.memref_slice %arg4[%add3A_297] : memref<320000xi32, #tpu.memory_space<hbm>> -> memref<80xi32, #tpu.memory_space<hbm>>
          tpu.enqueue_dma source(%dma_start3A_315 : memref<80xi32, #tpu.memory_space<hbm>>) target(%dma_start3A_314 : memref<80xi32, #tpu.memory_space<vmem>>) target_semaphore(%arg20 : memref<!tpu.dma_semaphore, #tpu.memory_space<semaphore_mem>>)
        } else {
        }
      } else {
      }
      %eq3A_229 = arith.constant 5 : i32
      %eq3A_230 = arith.cmpi eq, %rem3A_206, %eq3A_229 : i32
      %convert_element_type3A_231 = arith.extui %eq3A_230 : i1 to i32
      %cond3A_232 = arith.constant 0 : i32
      %cond3A_233 = arith.cmpi ne, %convert_element_type3A_231, %cond3A_232 : i32
      scf.if %cond3A_233 {
        %dma_wait3A_234 = arith.constant 2 : i32
        %dma_wait3A_235 = arith.constant 0 : i32
        %dma_wait3A_236 = arith.constant 0 : i32
        %dma_wait3A_237 = tpu.memref_slice %arg11[%dma_wait3A_234, %dma_wait3A_235, %dma_wait3A_236] : memref<3x80x128xf32, #tpu.memory_space<vmem>> -> memref<1x80x128xf32, #tpu.memory_space<vmem>>
        %dma_wait3A_238 = tpu.memref_squeeze %dma_wait3A_237 : memref<1x80x128xf32, #tpu.memory_space<vmem>> -> memref<80x128xf32, #tpu.memory_space<vmem>>
        %dma_wait3A_239 = arith.constant 0 : i32
        %dma_wait3A_240 = arith.constant 0 : i32
        %dma_wait3A_241 = tpu.memref_slice %arg2[%dma_wait3A_239, %dma_wait3A_240] : memref<10000x128xf32, #tpu.memory_space<hbm>> -> memref<80x128xf32, #tpu.memory_space<hbm>>
        %dma_wait3A_242 = arith.constant 0 : i32
        %dma_wait3A_243 = arith.constant 0 : i32
        %dma_wait3A_244 = tpu.memref_slice %arg11[%dma_wait3A_234, %dma_wait3A_242, %dma_wait3A_243] : memref<3x80x128xf32, #tpu.memory_space<vmem>> -> memref<1x80x128xf32, #tpu.memory_space<vmem>>
        %dma_wait3A_245 = tpu.memref_squeeze %dma_wait3A_244 : memref<1x80x128xf32, #tpu.memory_space<vmem>> -> memref<80x128xf32, #tpu.memory_space<vmem>>
        %dma_wait3A_246 = arith.constant 0 : i32
        %dma_wait3A_247 = arith.constant 0 : i32
        %dma_wait3A_248 = tpu.memref_slice %arg2[%dma_wait3A_246, %dma_wait3A_247] : memref<10000x128xf32, #tpu.memory_space<hbm>> -> memref<80x128xf32, #tpu.memory_space<hbm>>
        tpu.wait_dma2 semaphore(%arg17 : memref<!tpu.dma_semaphore, #tpu.memory_space<semaphore_mem>>) src(%dma_wait3A_248 : memref<80x128xf32, #tpu.memory_space<hbm>>) dst(%dma_wait3A_245 : memref<80x128xf32, #tpu.memory_space<vmem>>)
        %ge3A = arith.constant 1 : i32
        %ge3A_249 = arith.cmpi sge, %scan3A_205, %ge3A : i32
        %convert_element_type3A_250 = arith.extui %ge3A_249 : i1 to i32
        %cond3A_251 = arith.constant 0 : i32
        %cond3A_252 = arith.cmpi ne, %convert_element_type3A_250, %cond3A_251 : i32
        scf.if %cond3A_252 {
          %dma_wait3A_293 = arith.constant 1 : i32
          %dma_wait3A_294 = arith.constant 0 : i32
          %dma_wait3A_295 = arith.constant 0 : i32
          %dma_wait3A_296 = tpu.memref_slice %arg11[%dma_wait3A_293, %dma_wait3A_294, %dma_wait3A_295] : memref<3x80x128xf32, #tpu.memory_space<vmem>> -> memref<1x80x128xf32, #tpu.memory_space<vmem>>
          %dma_wait3A_297 = tpu.memref_squeeze %dma_wait3A_296 : memref<1x80x128xf32, #tpu.memory_space<vmem>> -> memref<80x128xf32, #tpu.memory_space<vmem>>
          %dma_wait3A_298 = arith.constant 0 : i32
          %dma_wait3A_299 = arith.constant 0 : i32
          %dma_wait3A_300 = tpu.memref_slice %arg14[%dma_wait3A_298, %dma_wait3A_299] : memref<10240x128xf32, #tpu.memory_space<vmem_shared>> -> memref<80x128xf32, #tpu.memory_space<vmem_shared>>
          %dma_wait3A_301 = arith.constant 0 : i32
          %dma_wait3A_302 = arith.constant 0 : i32
          %dma_wait3A_303 = tpu.memref_slice %arg14[%dma_wait3A_301, %dma_wait3A_302] : memref<10240x128xf32, #tpu.memory_space<vmem_shared>> -> memref<80x128xf32, #tpu.memory_space<vmem_shared>>
          %dma_wait3A_304 = arith.constant 0 : i32
          %dma_wait3A_305 = arith.constant 0 : i32
          %dma_wait3A_306 = tpu.memref_slice %arg11[%dma_wait3A_293, %dma_wait3A_304, %dma_wait3A_305] : memref<3x80x128xf32, #tpu.memory_space<vmem>> -> memref<1x80x128xf32, #tpu.memory_space<vmem>>
          %dma_wait3A_307 = tpu.memref_squeeze %dma_wait3A_306 : memref<1x80x128xf32, #tpu.memory_space<vmem>> -> memref<80x128xf32, #tpu.memory_space<vmem>>
          tpu.wait_dma2 semaphore(%arg25 : memref<!tpu.dma_semaphore, #tpu.memory_space<semaphore_mem>>) src(%dma_wait3A_307 : memref<80x128xf32, #tpu.memory_space<vmem>>) dst(%dma_wait3A_303 : memref<80x128xf32, #tpu.memory_space<vmem_shared>>)
        } else {
        }
        %lt3A = arith.constant 123 : i32
        %lt3A_253 = arith.cmpi slt, %scan3A_205, %lt3A : i32
        %convert_element_type3A_254 = arith.extui %lt3A_253 : i1 to i32
        %cond3A_255 = arith.constant 0 : i32
        %cond3A_256 = arith.cmpi ne, %convert_element_type3A_254, %cond3A_255 : i32
        scf.if %cond3A_256 {
          %dma_wait3A_293 = arith.constant 1 : i32
          %dma_wait3A_294 = arith.constant 0 : i32
          %dma_wait3A_295 = tpu.memref_slice %arg9[%dma_wait3A_293, %dma_wait3A_294] : memref<6x80xi32, #tpu.memory_space<vmem>> -> memref<1x80xi32, #tpu.memory_space<vmem>>
          %dma_wait3A_296 = tpu.memref_squeeze %dma_wait3A_295 : memref<1x80xi32, #tpu.memory_space<vmem>> -> memref<80xi32, #tpu.memory_space<vmem>>
          %dma_wait3A_297 = arith.constant 0 : i32
          %dma_wait3A_298 = tpu.memref_slice %arg3[%dma_wait3A_297] : memref<320000xi32, #tpu.memory_space<hbm>> -> memref<80xi32, #tpu.memory_space<hbm>>
          %dma_wait3A_299 = arith.constant 0 : i32
          %dma_wait3A_300 = tpu.memref_slice %arg9[%dma_wait3A_293, %dma_wait3A_299] : memref<6x80xi32, #tpu.memory_space<vmem>> -> memref<1x80xi32, #tpu.memory_space<vmem>>
          %dma_wait3A_301 = tpu.memref_squeeze %dma_wait3A_300 : memref<1x80xi32, #tpu.memory_space<vmem>> -> memref<80xi32, #tpu.memory_space<vmem>>
          %dma_wait3A_302 = arith.constant 0 : i32
          %dma_wait3A_303 = tpu.memref_slice %arg3[%dma_wait3A_302] : memref<320000xi32, #tpu.memory_space<hbm>> -> memref<80xi32, #tpu.memory_space<hbm>>
          tpu.wait_dma2 semaphore(%arg19 : memref<!tpu.dma_semaphore, #tpu.memory_space<semaphore_mem>>) src(%dma_wait3A_303 : memref<80xi32, #tpu.memory_space<hbm>>) dst(%dma_wait3A_301 : memref<80xi32, #tpu.memory_space<vmem>>)
          %dma_wait3A_304 = arith.constant 1 : i32
          %dma_wait3A_305 = arith.constant 0 : i32
          %dma_wait3A_306 = tpu.memref_slice %arg10[%dma_wait3A_304, %dma_wait3A_305] : memref<6x80xi32, #tpu.memory_space<vmem>> -> memref<1x80xi32, #tpu.memory_space<vmem>>
          %dma_wait3A_307 = tpu.memref_squeeze %dma_wait3A_306 : memref<1x80xi32, #tpu.memory_space<vmem>> -> memref<80xi32, #tpu.memory_space<vmem>>
          %dma_wait3A_308 = arith.constant 0 : i32
          %dma_wait3A_309 = tpu.memref_slice %arg4[%dma_wait3A_308] : memref<320000xi32, #tpu.memory_space<hbm>> -> memref<80xi32, #tpu.memory_space<hbm>>
          %dma_wait3A_310 = arith.constant 0 : i32
          %dma_wait3A_311 = tpu.memref_slice %arg10[%dma_wait3A_304, %dma_wait3A_310] : memref<6x80xi32, #tpu.memory_space<vmem>> -> memref<1x80xi32, #tpu.memory_space<vmem>>
          %dma_wait3A_312 = tpu.memref_squeeze %dma_wait3A_311 : memref<1x80xi32, #tpu.memory_space<vmem>> -> memref<80xi32, #tpu.memory_space<vmem>>
          %dma_wait3A_313 = arith.constant 0 : i32
          %dma_wait3A_314 = tpu.memref_slice %arg4[%dma_wait3A_313] : memref<320000xi32, #tpu.memory_space<hbm>> -> memref<80xi32, #tpu.memory_space<hbm>>
          tpu.wait_dma2 semaphore(%arg19 : memref<!tpu.dma_semaphore, #tpu.memory_space<semaphore_mem>>) src(%dma_wait3A_314 : memref<80xi32, #tpu.memory_space<hbm>>) dst(%dma_wait3A_312 : memref<80xi32, #tpu.memory_space<vmem>>)
          %dma_start3A_315 = arith.constant 1 : i32
          %dma_start3A_316 = arith.constant 1 : i32
          %dma_start3A_317 = arith.constant 0 : i32
          %dma_start3A_318 = arith.constant 0 : i32
          %dma_start3A_319 = tpu.memref_slice %arg11[%dma_start3A_316, %dma_start3A_317, %dma_start3A_318] : memref<3x80x128xf32, #tpu.memory_space<vmem>> -> memref<1x80x128xf32, #tpu.memory_space<vmem>>
          %dma_start3A_320 = tpu.memref_squeeze %dma_start3A_319 : memref<1x80x128xf32, #tpu.memory_space<vmem>> -> memref<80x128xf32, #tpu.memory_space<vmem>>
          %dma_start3A_321 = arith.constant 0 : i32
          %dma_start3A_322 = tpu.memref_slice %arg10[%dma_start3A_315, %dma_start3A_321] : memref<6x80xi32, #tpu.memory_space<vmem>> -> memref<1x80xi32, #tpu.memory_space<vmem>>
          %dma_start3A_323 = tpu.memref_squeeze %dma_start3A_322 : memref<1x80xi32, #tpu.memory_space<vmem>> -> memref<80xi32, #tpu.memory_space<vmem>>
          %dma_start3A_324 = arith.constant 0 : i32
          %dma_start3A_325 = arith.constant 0 : i32
          %dma_start3A_326 = tpu.memref_slice %arg2[%dma_start3A_324, %dma_start3A_325] : memref<10000x128xf32, #tpu.memory_space<hbm>> -> memref<10000x128xf32, #tpu.memory_space<hbm>>
          tpu.enqueue_indirect_dma source(%dma_start3A_326 : memref<10000x128xf32, #tpu.memory_space<hbm>>) target(%dma_start3A_320 : memref<80x128xf32, #tpu.memory_space<vmem>>) offsets(%dma_start3A_323 : memref<80xi32, #tpu.memory_space<vmem>>) semaphore(%arg16 : memref<!tpu.dma_semaphore, #tpu.memory_space<semaphore_mem>>)
        } else {
        }
        %dma_start3A_257 = arith.constant 2 : i32
        %dma_start3A_258 = arith.constant 5 : i32
        %dma_start3A_259 = arith.constant 0 : i32
        %dma_start3A_260 = arith.constant 0 : i32
        %dma_start3A_261 = tpu.memref_slice %arg11[%dma_start3A_257, %dma_start3A_259, %dma_start3A_260] : memref<3x80x128xf32, #tpu.memory_space<vmem>> -> memref<1x80x128xf32, #tpu.memory_space<vmem>>
        %dma_start3A_262 = tpu.memref_squeeze %dma_start3A_261 : memref<1x80x128xf32, #tpu.memory_space<vmem>> -> memref<80x128xf32, #tpu.memory_space<vmem>>
        %dma_start3A_263 = arith.constant 0 : i32
        %dma_start3A_264 = tpu.memref_slice %arg9[%dma_start3A_258, %dma_start3A_263] : memref<6x80xi32, #tpu.memory_space<vmem>> -> memref<1x80xi32, #tpu.memory_space<vmem>>
        %dma_start3A_265 = tpu.memref_squeeze %dma_start3A_264 : memref<1x80xi32, #tpu.memory_space<vmem>> -> memref<80xi32, #tpu.memory_space<vmem>>
        %dma_start3A_266 = arith.constant 0 : i32
        %dma_start3A_267 = arith.constant 0 : i32
        %dma_start3A_268 = tpu.memref_slice %arg14[%dma_start3A_266, %dma_start3A_267] : memref<10240x128xf32, #tpu.memory_space<vmem_shared>> -> memref<10240x128xf32, #tpu.memory_space<vmem_shared>>
        tpu.enqueue_indirect_dma source(%dma_start3A_262 : memref<80x128xf32, #tpu.memory_space<vmem>>) target(%dma_start3A_268 : memref<10240x128xf32, #tpu.memory_space<vmem_shared>>) offsets(%dma_start3A_265 : memref<80xi32, #tpu.memory_space<vmem>>) semaphore(%arg26 : memref<!tpu.dma_semaphore, #tpu.memory_space<semaphore_mem>>) {add = true}
        %get3A = arith.constant 5 : i32
        %get3A_269 = arith.index_cast %get3A : i32 to index
        %get3A_270 = arith.constant 0 : index
        %get3A_271 = tpu.vector_load %arg9[%get3A_269, %get3A_270] {strides = array<i32>} : memref<6x80xi32, #tpu.memory_space<vmem>>, vector<16xi32>,
        tpu.vector_store_idx %arg13[%get3A_271], %broadcast_in_dim3A_5 {add = true} : memref<10240xf32, #tpu.memory_space<vmem>>[vector<16xi32>], vector<16xf32>,
        %get3A_272 = arith.constant 5 : i32
        %get3A_273 = arith.index_cast %get3A_272 : i32 to index
        %get3A_274 = arith.constant 16 : index
        %get3A_275 = tpu.vector_load %arg9[%get3A_273, %get3A_274] {strides = array<i32>} : memref<6x80xi32, #tpu.memory_space<vmem>>, vector<16xi32>,
        tpu.vector_store_idx %arg13[%get3A_275], %broadcast_in_dim3A_5 {add = true} : memref<10240xf32, #tpu.memory_space<vmem>>[vector<16xi32>], vector<16xf32>,
        %get3A_276 = arith.constant 5 : i32
        %get3A_277 = arith.index_cast %get3A_276 : i32 to index
        %get3A_278 = arith.constant 32 : index
        %get3A_279 = tpu.vector_load %arg9[%get3A_277, %get3A_278] {strides = array<i32>} : memref<6x80xi32, #tpu.memory_space<vmem>>, vector<16xi32>,
        tpu.vector_store_idx %arg13[%get3A_279], %broadcast_in_dim3A_5 {add = true} : memref<10240xf32, #tpu.memory_space<vmem>>[vector<16xi32>], vector<16xf32>,
        %get3A_280 = arith.constant 5 : i32
        %get3A_281 = arith.index_cast %get3A_280 : i32 to index
        %get3A_282 = arith.constant 48 : index
        %get3A_283 = tpu.vector_load %arg9[%get3A_281, %get3A_282] {strides = array<i32>} : memref<6x80xi32, #tpu.memory_space<vmem>>, vector<16xi32>,
        tpu.vector_store_idx %arg13[%get3A_283], %broadcast_in_dim3A_5 {add = true} : memref<10240xf32, #tpu.memory_space<vmem>>[vector<16xi32>], vector<16xf32>,
        %get3A_284 = arith.constant 5 : i32
        %get3A_285 = arith.index_cast %get3A_284 : i32 to index
        %get3A_286 = arith.constant 64 : index
        %get3A_287 = tpu.vector_load %arg9[%get3A_285, %get3A_286] {strides = array<i32>} : memref<6x80xi32, #tpu.memory_space<vmem>>, vector<16xi32>,
        tpu.vector_store_idx %arg13[%get3A_287], %broadcast_in_dim3A_5 {add = true} : memref<10240xf32, #tpu.memory_space<vmem>>[vector<16xi32>], vector<16xf32>,
        %lt3A_288 = arith.constant 121 : i32
        %lt3A_289 = arith.cmpi slt, %scan3A_205, %lt3A_288 : i32
        %convert_element_type3A_290 = arith.extui %lt3A_289 : i1 to i32
        %cond3A_291 = arith.constant 0 : i32
        %cond3A_292 = arith.cmpi ne, %convert_element_type3A_290, %cond3A_291 : i32
        scf.if %cond3A_292 {
          %add3A_293 = arith.constant 4 : i32
          %add3A_294 = arith.addi %scan3A_205, %add3A_293 : i32
          %mul3A_295 = arith.constant 80 : i32
          %mul3A_296 = arith.muli %add3A_294, %mul3A_295 : i32
          %add3A_297 = arith.addi %mul3A_2, %mul3A_296 : i32
          %dma_start3A_298 = arith.constant 3 : i32
          %dma_start3A_299 = arith.constant 0 : i32
          %dma_start3A_300 = tpu.memref_slice %arg9[%dma_start3A_298, %dma_start3A_299] : memref<6x80xi32, #tpu.memory_space<vmem>> -> memref<1x80xi32, #tpu.memory_space<vmem>>
          %dma_start3A_301 = tpu.memref_squeeze %dma_start3A_300 : memref<1x80xi32, #tpu.memory_space<vmem>> -> memref<80xi32, #tpu.memory_space<vmem>>
          %dma_start3A_302 = tpu.memref_slice %arg3[%add3A_297] : memref<320000xi32, #tpu.memory_space<hbm>> -> memref<80xi32, #tpu.memory_space<hbm>>
          %dma_start3A_303 = arith.constant 0 : i32
          %dma_start3A_304 = tpu.memref_slice %arg9[%dma_start3A_298, %dma_start3A_303] : memref<6x80xi32, #tpu.memory_space<vmem>> -> memref<1x80xi32, #tpu.memory_space<vmem>>
          %dma_start3A_305 = tpu.memref_squeeze %dma_start3A_304 : memref<1x80xi32, #tpu.memory_space<vmem>> -> memref<80xi32, #tpu.memory_space<vmem>>
          %dma_start3A_306 = tpu.memref_slice %arg3[%add3A_297] : memref<320000xi32, #tpu.memory_space<hbm>> -> memref<80xi32, #tpu.memory_space<hbm>>
          tpu.enqueue_dma source(%dma_start3A_306 : memref<80xi32, #tpu.memory_space<hbm>>) target(%dma_start3A_305 : memref<80xi32, #tpu.memory_space<vmem>>) target_semaphore(%arg21 : memref<!tpu.dma_semaphore, #tpu.memory_space<semaphore_mem>>)
          %dma_start3A_307 = arith.constant 3 : i32
          %dma_start3A_308 = arith.constant 0 : i32
          %dma_start3A_309 = tpu.memref_slice %arg10[%dma_start3A_307, %dma_start3A_308] : memref<6x80xi32, #tpu.memory_space<vmem>> -> memref<1x80xi32, #tpu.memory_space<vmem>>
          %dma_start3A_310 = tpu.memref_squeeze %dma_start3A_309 : memref<1x80xi32, #tpu.memory_space<vmem>> -> memref<80xi32, #tpu.memory_space<vmem>>
          %dma_start3A_311 = tpu.memref_slice %arg4[%add3A_297] : memref<320000xi32, #tpu.memory_space<hbm>> -> memref<80xi32, #tpu.memory_space<hbm>>
          %dma_start3A_312 = arith.constant 0 : i32
          %dma_start3A_313 = tpu.memref_slice %arg10[%dma_start3A_307, %dma_start3A_312] : memref<6x80xi32, #tpu.memory_space<vmem>> -> memref<1x80xi32, #tpu.memory_space<vmem>>
          %dma_start3A_314 = tpu.memref_squeeze %dma_start3A_313 : memref<1x80xi32, #tpu.memory_space<vmem>> -> memref<80xi32, #tpu.memory_space<vmem>>
          %dma_start3A_315 = tpu.memref_slice %arg4[%add3A_297] : memref<320000xi32, #tpu.memory_space<hbm>> -> memref<80xi32, #tpu.memory_space<hbm>>
          tpu.enqueue_dma source(%dma_start3A_315 : memref<80xi32, #tpu.memory_space<hbm>>) target(%dma_start3A_314 : memref<80xi32, #tpu.memory_space<vmem>>) target_semaphore(%arg21 : memref<!tpu.dma_semaphore, #tpu.memory_space<semaphore_mem>>)
        } else {
        }
      } else {
      }
    }
    %scan3A_188 = arith.constant 125 : i32
    %dma_wait3A_189 = arith.constant 1 : i32
    %dma_wait3A_190 = arith.constant 0 : i32
    %dma_wait3A_191 = arith.constant 0 : i32
    %dma_wait3A_192 = tpu.memref_slice %arg11[%dma_wait3A_189, %dma_wait3A_190, %dma_wait3A_191] : memref<3x80x128xf32, #tpu.memory_space<vmem>> -> memref<1x80x128xf32, #tpu.memory_space<vmem>>
    %dma_wait3A_193 = tpu.memref_squeeze %dma_wait3A_192 : memref<1x80x128xf32, #tpu.memory_space<vmem>> -> memref<80x128xf32, #tpu.memory_space<vmem>>
    %dma_wait3A_194 = arith.constant 0 : i32
    %dma_wait3A_195 = arith.constant 0 : i32
    %dma_wait3A_196 = tpu.memref_slice %arg14[%dma_wait3A_194, %dma_wait3A_195] : memref<10240x128xf32, #tpu.memory_space<vmem_shared>> -> memref<80x128xf32, #tpu.memory_space<vmem_shared>>
    %dma_wait3A_197 = arith.constant 0 : i32
    %dma_wait3A_198 = arith.constant 0 : i32
    %dma_wait3A_199 = tpu.memref_slice %arg14[%dma_wait3A_197, %dma_wait3A_198] : memref<10240x128xf32, #tpu.memory_space<vmem_shared>> -> memref<80x128xf32, #tpu.memory_space<vmem_shared>>
    %dma_wait3A_200 = arith.constant 0 : i32
    %dma_wait3A_201 = arith.constant 0 : i32
    %dma_wait3A_202 = tpu.memref_slice %arg11[%dma_wait3A_189, %dma_wait3A_200, %dma_wait3A_201] : memref<3x80x128xf32, #tpu.memory_space<vmem>> -> memref<1x80x128xf32, #tpu.memory_space<vmem>>
    %dma_wait3A_203 = tpu.memref_squeeze %dma_wait3A_202 : memref<1x80x128xf32, #tpu.memory_space<vmem>> -> memref<80x128xf32, #tpu.memory_space<vmem>>
    tpu.wait_dma2 semaphore(%arg25 : memref<!tpu.dma_semaphore, #tpu.memory_space<semaphore_mem>>) src(%dma_wait3A_203 : memref<80x128xf32, #tpu.memory_space<vmem>>) dst(%dma_wait3A_199 : memref<80x128xf32, #tpu.memory_space<vmem_shared>>)
    %barrier3A_204 = arith.constant 0 : index
    tpu.barrier barrier_id(%barrier3A_204)
    "tpu.region"() ({
      %run_scoped3A = tpu.sem_alloc : memref<!tpu.dma_semaphore, #tpu.memory_space<semaphore_mem>>
      %dma_start3A_205 = arith.constant 0 : i32
      %dma_start3A_206 = arith.constant 0 : i32
      %dma_start3A_207 = tpu.memref_slice %arg7[%arg0, %dma_start3A_205, %dma_start3A_206] : memref<2x10240x128xf32, #tpu.memory_space<hbm>> -> memref<1x10240x128xf32, #tpu.memory_space<hbm>>
      %dma_start3A_208 = tpu.memref_squeeze %dma_start3A_207 : memref<1x10240x128xf32, #tpu.memory_space<hbm>> -> memref<10240x128xf32, #tpu.memory_space<hbm>>
      %dma_start3A_209 = arith.constant 0 : i32
      %dma_start3A_210 = tpu.memref_slice %dma_start3A_208[%mul3A_4, %dma_start3A_209] : memref<10240x128xf32, #tpu.memory_space<hbm>> -> memref<640x128xf32, #tpu.memory_space<hbm>>
      %dma_start3A_211 = arith.constant 0 : i32
      %dma_start3A_212 = tpu.memref_slice %arg14[%mul3A_4, %dma_start3A_211] : memref<10240x128xf32, #tpu.memory_space<vmem_shared>> -> memref<640x128xf32, #tpu.memory_space<vmem_shared>>
      tpu.enqueue_dma source(%dma_start3A_212 : memref<640x128xf32, #tpu.memory_space<vmem_shared>>) target(%dma_start3A_210 : memref<640x128xf32, #tpu.memory_space<hbm>>) target_semaphore(%run_scoped3A : memref<!tpu.dma_semaphore, #tpu.memory_space<semaphore_mem>>)
      %dma_wait3A_213 = arith.constant 0 : i32
      %dma_wait3A_214 = arith.constant 0 : i32
      %dma_wait3A_215 = tpu.memref_slice %arg7[%arg0, %dma_wait3A_213, %dma_wait3A_214] : memref<2x10240x128xf32, #tpu.memory_space<hbm>> -> memref<1x10240x128xf32, #tpu.memory_space<hbm>>
      %dma_wait3A_216 = tpu.memref_squeeze %dma_wait3A_215 : memref<1x10240x128xf32, #tpu.memory_space<hbm>> -> memref<10240x128xf32, #tpu.memory_space<hbm>>
      %dma_wait3A_217 = arith.constant 0 : i32
      %dma_wait3A_218 = tpu.memref_slice %dma_wait3A_216[%mul3A_4, %dma_wait3A_217] : memref<10240x128xf32, #tpu.memory_space<hbm>> -> memref<640x128xf32, #tpu.memory_space<hbm>>
      %dma_wait3A_219 = arith.constant 0 : i32
      %dma_wait3A_220 = tpu.memref_slice %arg14[%mul3A_4, %dma_wait3A_219] : memref<10240x128xf32, #tpu.memory_space<vmem_shared>> -> memref<640x128xf32, #tpu.memory_space<vmem_shared>>
      tpu.wait_dma2 semaphore(%run_scoped3A : memref<!tpu.dma_semaphore, #tpu.memory_space<semaphore_mem>>) src(%dma_wait3A_220 : memref<640x128xf32, #tpu.memory_space<vmem_shared>>) dst(%dma_wait3A_218 : memref<640x128xf32, #tpu.memory_space<hbm>>)
      tpu.yield
    }) : () -> ()
    "tpu.region"() ({
      %run_scoped3A = tpu.sem_alloc : memref<!tpu.dma_semaphore, #tpu.memory_space<semaphore_mem>>
      %dma_start3A_205 = arith.constant 0 : i32
      %dma_start3A_206 = tpu.memref_slice %arg8[%add3A, %dma_start3A_205] : memref<32x10240xf32, #tpu.memory_space<hbm>> -> memref<1x10240xf32, #tpu.memory_space<hbm>>
      %dma_start3A_207 = tpu.memref_squeeze %dma_start3A_206 : memref<1x10240xf32, #tpu.memory_space<hbm>> -> memref<10240xf32, #tpu.memory_space<hbm>>
      %dma_start3A_208 = arith.constant 0 : i32
      %dma_start3A_209 = tpu.memref_slice %arg8[%add3A, %dma_start3A_208] : memref<32x10240xf32, #tpu.memory_space<hbm>> -> memref<1x10240xf32, #tpu.memory_space<hbm>>
      %dma_start3A_210 = tpu.memref_squeeze %dma_start3A_209 : memref<1x10240xf32, #tpu.memory_space<hbm>> -> memref<10240xf32, #tpu.memory_space<hbm>>
      tpu.enqueue_dma source(%arg13 : memref<10240xf32, #tpu.memory_space<vmem>>) target(%dma_start3A_210 : memref<10240xf32, #tpu.memory_space<hbm>>) target_semaphore(%run_scoped3A : memref<!tpu.dma_semaphore, #tpu.memory_space<semaphore_mem>>)
      %dma_wait3A_211 = arith.constant 0 : i32
      %dma_wait3A_212 = tpu.memref_slice %arg8[%add3A, %dma_wait3A_211] : memref<32x10240xf32, #tpu.memory_space<hbm>> -> memref<1x10240xf32, #tpu.memory_space<hbm>>
      %dma_wait3A_213 = tpu.memref_squeeze %dma_wait3A_212 : memref<1x10240xf32, #tpu.memory_space<hbm>> -> memref<10240xf32, #tpu.memory_space<hbm>>
      %dma_wait3A_214 = arith.constant 0 : i32
      %dma_wait3A_215 = tpu.memref_slice %arg8[%add3A, %dma_wait3A_214] : memref<32x10240xf32, #tpu.memory_space<hbm>> -> memref<1x10240xf32, #tpu.memory_space<hbm>>
      %dma_wait3A_216 = tpu.memref_squeeze %dma_wait3A_215 : memref<1x10240xf32, #tpu.memory_space<hbm>> -> memref<10240xf32, #tpu.memory_space<hbm>>
      tpu.wait_dma2 semaphore(%run_scoped3A : memref<!tpu.dma_semaphore, #tpu.memory_space<semaphore_mem>>) src(%arg13 : memref<10240xf32, #tpu.memory_space<vmem>>) dst(%dma_wait3A_216 : memref<10240xf32, #tpu.memory_space<hbm>>)
      tpu.yield
    }) : () -> ()
    return
  }
}

module attributes {stable_mosaic.version = 14 : i64} {
  func.func @_tc_body(%arg0: i32, %arg1: memref<2x1024x128xf32, #tpu.memory_space<vmem>>, %arg2: memref<32x1024xf32, #tpu.memory_space<vmem>>, %arg3: memref<1024x128xf32, #tpu.memory_space<vmem>>, %arg4: memref<128x128xf32, #tpu.memory_space<vmem>>, %arg5: memref<128x128xf32, #tpu.memory_space<vmem>>, %arg6: memref<1x128xf32, #tpu.memory_space<vmem>>, %arg7: memref<1024x128xf32, #tpu.memory_space<vmem>>) attributes {dimension_semantics = [#tpu.dimension_semantics<arbitrary>], iteration_bounds = array<i64: 10>, scalar_prefetch = 0 : i64, scratch_operands = 0 : i64, tpu.core_type = #tpu.core_type<tc>, window_params = [{transform_indices = @transform_0, window_bounds = array<i64: 2, 1024, 128>}, {transform_indices = @transform_1, window_bounds = array<i64: 32, 1024>}, {transform_indices = @transform_2, window_bounds = array<i64: 1024, 128>}, {pipeline_mode = #tpu.pipeline_mode<synchronous>, transform_indices = @transform_3, window_bounds = array<i64: 128, 128>}, {pipeline_mode = #tpu.pipeline_mode<synchronous>, transform_indices = @transform_4, window_bounds = array<i64: 128, 128>}, {pipeline_mode = #tpu.pipeline_mode<synchronous>, transform_indices = @transform_5, window_bounds = array<i64: 1, 128>}, {transform_indices = @transform_6, window_bounds = array<i64: 1024, 128>}]} {
    %get3A = arith.constant 0 : index
    %get3A_0 = arith.constant 0 : index
    %get3A_1 = arith.constant 0 : index
    %get3A_2 = vector.load %arg1[%get3A, %get3A_0, %get3A_1] : memref<2x1024x128xf32, #tpu.memory_space<vmem>>, vector<1x1024x128xf32>
    %get3A_3 = vector.shape_cast %get3A_2 : vector<1x1024x128xf32> to vector<1024x128xf32>
    %get3A_4 = arith.constant 1 : index
    %get3A_5 = arith.constant 0 : index
    %get3A_6 = arith.constant 0 : index
    %get3A_7 = vector.load %arg1[%get3A_4, %get3A_5, %get3A_6] : memref<2x1024x128xf32, #tpu.memory_space<vmem>>, vector<1x1024x128xf32>
    %get3A_8 = vector.shape_cast %get3A_7 : vector<1x1024x128xf32> to vector<1024x128xf32>
    %add3A = arith.addf %get3A_3, %get3A_8 : vector<1024x128xf32>
    %get3A_9 = arith.constant 0 : index
    %get3A_10 = arith.constant 0 : index
    %get3A_11 = vector.load %arg2[%get3A_9, %get3A_10] : memref<32x1024xf32, #tpu.memory_space<vmem>>, vector<32x1024xf32>
    %reduce_sum3A = arith.constant dense<0.000000e+00> : vector<1024xf32>
    %reduce_sum3A_12 = vector.multi_reduction <add>, %get3A_11, %reduce_sum3A [0] : vector<32x1024xf32> to vector<1024xf32>
    %gt3A = arith.constant 0.000000e+00 : f32
    %gt3A_13 = vector.broadcast %gt3A : f32 to vector<1024xf32>
    %gt3A_14 = arith.cmpf ogt, %reduce_sum3A_12, %gt3A_13 : vector<1024xf32>
    %div3A = arith.constant 1.000000e+00 : f32
    %div3A_15 = vector.broadcast %div3A : f32 to vector<1024xf32>
    %div3A_16 = arith.divf %div3A_15, %reduce_sum3A_12 : vector<1024xf32>
    %jit3A = arith.constant 0.000000e+00 : f32
    %broadcast_in_dim3A = vector.broadcast %jit3A : f32 to vector<1024xf32>
    %select_n3A = arith.select %gt3A_14, %div3A_16, %broadcast_in_dim3A : vector<1024xi1>, vector<1024xf32>
    %broadcast_in_dim3A_17 = vector.shape_cast %select_n3A : vector<1024xf32> to vector<1024x1xf32>
    %mul3A = vector.broadcast %broadcast_in_dim3A_17 : vector<1024x1xf32> to vector<1024x128xf32>
    %mul3A_18 = arith.mulf %add3A, %mul3A : vector<1024x128xf32>
    %get3A_19 = arith.constant 0 : index
    %get3A_20 = arith.constant 0 : index
    %get3A_21 = vector.load %arg4[%get3A_19, %get3A_20] : memref<128x128xf32, #tpu.memory_space<vmem>>, vector<128x128xf32>
    %dot_general3A = arith.constant dense<0.000000e+00> : vector<1024x128xf32>
    %dot_general3A_22 = tpu.matmul %mul3A_18, %get3A_21, %dot_general3A {dimension_numbers = #tpu.dot_dimension_numbers<[1], [1], [0], [0], [0, 0, 1, 0], [], []>, transpose_lhs_hint = false} : vector<1024x128xf32>, vector<128x128xf32>, vector<1024x128xf32> -> vector<1024x128xf32>
    %get3A_23 = arith.constant 0 : index
    %get3A_24 = arith.constant 0 : index
    %get3A_25 = vector.load %arg3[%get3A_23, %get3A_24] : memref<1024x128xf32, #tpu.memory_space<vmem>>, vector<1024x128xf32>
    %get3A_26 = arith.constant 0 : index
    %get3A_27 = arith.constant 0 : index
    %get3A_28 = vector.load %arg5[%get3A_26, %get3A_27] : memref<128x128xf32, #tpu.memory_space<vmem>>, vector<128x128xf32>
    %dot_general3A_29 = arith.constant dense<0.000000e+00> : vector<1024x128xf32>
    %dot_general3A_30 = tpu.matmul %get3A_25, %get3A_28, %dot_general3A_29 {dimension_numbers = #tpu.dot_dimension_numbers<[1], [1], [0], [0], [0, 0, 1, 0], [], []>, transpose_lhs_hint = false} : vector<1024x128xf32>, vector<128x128xf32>, vector<1024x128xf32> -> vector<1024x128xf32>
    %add3A_31 = arith.addf %dot_general3A_22, %dot_general3A_30 : vector<1024x128xf32>
    %get3A_32 = arith.constant 0 : index
    %get3A_33 = arith.constant 0 : index
    %get3A_34 = vector.load %arg6[%get3A_32, %get3A_33] : memref<1x128xf32, #tpu.memory_space<vmem>>, vector<1x128xf32>
    %add3A_35 = vector.broadcast %get3A_34 : vector<1x128xf32> to vector<1024x128xf32>
    %add3A_36 = arith.addf %add3A_31, %add3A_35 : vector<1024x128xf32>
    %swap3A = arith.constant 0 : index
    %swap3A_37 = arith.constant 0 : index
    %swap3A_38 = vector.load %arg7[%swap3A, %swap3A_37] : memref<1024x128xf32, #tpu.memory_space<vmem>>, vector<1024x128xf32>
    tpu.vector_store %arg7[%swap3A, %swap3A_37], %add3A_36 {strides = array<i32>} : memref<1024x128xf32, #tpu.memory_space<vmem>>, vector<1024x128xf32>,
    return
  }
  func.func @transform_0(%arg0: i32) -> (i32, i32, i32) {
    %c0_i32 = arith.constant 0 : i32
    %c0_i32_0 = arith.constant 0 : i32
    %c0_i32_1 = arith.constant 0 : i32
    return %c0_i32, %arg0, %c0_i32_0 : i32, i32, i32
  }
  func.func @transform_1(%arg0: i32) -> (i32, i32) {
    %c0_i32 = arith.constant 0 : i32
    %c0_i32_0 = arith.constant 0 : i32
    return %c0_i32, %arg0 : i32, i32
  }
  func.func @transform_2(%arg0: i32) -> (i32, i32) {
    %c0_i32 = arith.constant 0 : i32
    %c0_i32_0 = arith.constant 0 : i32
    return %arg0, %c0_i32 : i32, i32
  }
  func.func @transform_3(%arg0: i32) -> (i32, i32) {
    %c0_i32 = arith.constant 0 : i32
    %c0_i32_0 = arith.constant 0 : i32
    %c0_i32_1 = arith.constant 0 : i32
    return %c0_i32, %c0_i32_0 : i32, i32
  }
  func.func @transform_4(%arg0: i32) -> (i32, i32) {
    %c0_i32 = arith.constant 0 : i32
    %c0_i32_0 = arith.constant 0 : i32
    %c0_i32_1 = arith.constant 0 : i32
    return %c0_i32, %c0_i32_0 : i32, i32
  }
  func.func @transform_5(%arg0: i32) -> (i32, i32) {
    %c0_i32 = arith.constant 0 : i32
    %c0_i32_0 = arith.constant 0 : i32
    %c0_i32_1 = arith.constant 0 : i32
    return %c0_i32, %c0_i32_0 : i32, i32
  }
  func.func @transform_6(%arg0: i32) -> (i32, i32) {
    %c0_i32 = arith.constant 0 : i32
    %c0_i32_0 = arith.constant 0 : i32
    return %arg0, %c0_i32 : i32, i32
  }
}

</mosaic_0001>

<sc_bundles>
// kernel: kernel.4.cloned.1.call-start
scs
__scs_entry_jumppad:
0x0: {  	(pc) =	sbr.rel $0x88, $3  }
0x1: {  	(tag) =	ssettag $0x0;
	lr =	simm.s32 $0x1  }
0x2: {  	[smem:$0x3F9B] =	sst lr;
	_ =	strace $0xD0000000  }
0x3: {  	_ = 	snop  }
0x4: {  	_ = 	snop  }
0x5: {  	_ = 	snop  }
0x6: {  	_ = 	snop  }
0x7: {  	_ = 	snop  }
__scs_overlays_trampoline_lowered:
0x8: {  	[smem:$0x3FAA] =	sst s0  }
0x9: {  	[smem:$0x3FAB] =	sst s1  }
0xa: {  	[smem:$0x3FAC] =	sst s2  }
0xb: {  	[smem:$0x3FAD] =	sst s3  }
0xc: {  	[smem:$0x3FAE] =	sst s4  }
0xd: {  	[smem:$0x3FAF] =	sst s5  }
0xe: {  	[smem:$0x3FB0] =	sst s6  }
0xf: {  	[smem:$0x3FB1] =	sst s7  }
0x10: {  	[smem:$0x3FB2] =	sst s8  }
0x11: {  	[smem:$0x3FB3] =	sst s9;
	s0 =	simm.s32 @!p0 $0x0  }
0x12: {  	s1 =	sld [smem:$0x3F99];
	s0 =	simm.s32 @p0 $0x1  }
0x13: {  	[smem:$0x3FB4] =	sst s0;
	s0 =	simm.s32 @!p1 $0x0  }
0x14: {  	s2 =	sld [smem:$0x3F98];
	s0 =	simm.s32 @p1 $0x1  }
0x15: {  	[smem:$0x3FB5] =	sst s0;
	s0 =	simm.s32 @!p2 $0x0  }
0x16: {  	s3 =	sld [smem:$0x3FDB];
	s0 =	simm.s32 @p2 $0x1  }
0x17: {  	s4 =	simm.s32 $0x1BF5;
	[smem:$0x3FB7] =	sst s0  }
0x18: {  	s0 =	sld [smem:$0x3F9A];
	_ =	swait.ge [sflag:s4], $0x0  }
0x19: {  	s7 =	sld [smem:$0x3F9B]  }
0x1a: {  	s8 =	sadd.s32 $0xFFFFE003, lr  }
0x1b: {  	s9 =	sadd.s32 $0xFFFFFEF7, lr;
	s5 =	simm.s32 $0xFFFFFFFF;
	p2 =	slt.u32 s8, $0xFFFFF086  }
0x1c: {  	p1 =	slt.u32 s9, $0xF7A;
	s5 =	simm.s32 @!p2 $0x0  }
0x1d: {  	s5 =	simm.s32 @p1 $0x1;
	p0 =	seq.s32 s7, s2  }
0x1e: {  	s7 =	smul.u32 @!p0 $0xF7A, s2;
	p2 =	seq.s32 @!p0 s5, $0x0  }
0x1f: {  	s9 =	smul.u32 $0xF7A, s1;
	s8 =	simm.s32 @!p0 $0x1BF5;
	p2 =	por !p2, p0  }
0x20: {  	[sflag:s8] =	ssyncset.s32 @!p0 $0xFFFFF086;
	s6 =	sadd.s32 @!p0 s3, s7;
	s7 =	simm.s32 @!p0 $0x108  }
0x21: {  	s3 =	sadd.s32 s3, s9;
	s6 =	sadd.s32 @!p0 $0x88, s6;
	s7 =	simm.s32 @p2 $0x1082  }
0x22: {  	[simem:s7], [sflag:s8] =	dma.local @!p0 [hbm:s6], $0xF7A  }
0x23: {  	s9 =	sor.u32 $0xD0000000, s2;
	s6 =	simm.s32 $0x108;
	_ =	swait.ge @!p0 [sflag:s8], $0x0  }
0x24: {  	s3 =	sadd.s32 $0x88, s3;
	s6 =	simm.s32 @!p1 $0x1082;
	[sflag:s4] =	ssyncset.s32 $0xFFFFF086  }
0x25: {  	[simem:s6], [sflag:s4] =	dma.local [hbm:s3], $0xF7A  }
0x26: {  	[smem:$0x3F9B] =	sst s1;
	(tag) =	ssettag s2;
	_ =	strace s9  }
0x27: {  	s1 =	sld [smem:$0x3FAB]  }
0x28: {  	s2 =	sld [smem:$0x3FAC]  }
0x29: {  	s4 =	sld [smem:$0x3FAE]  }
0x2a: {  	p0 =	seq.s32 s5, $0x0;
	s5 =	sld [smem:$0x3FAF]  }
0x2b: {  	s6 =	sld [smem:$0x3FB0]  }
0x2c: {  	s7 =	sld [smem:$0x3FB1]  }
0x2d: {  	s3 =	simm.s32 $0x108;
	s8 =	sld [smem:$0x3FB2]  }
0x2e: {  	s3 =	simm.s32 @!p0 $0x1082;
	s9 =	sld [smem:$0x3FB3]  }
0x2f: {  	lr =	sadd.s32 s0, s3;
	s0 =	sld [smem:$0x3FAA]  }
0x30: {  	s3 =	sld [smem:$0x3FAD]  }
0x31: {  	[smem:$0x3FB6] =	sst s10  }
0x32: {  	s10 =	sld [smem:$0x3FB4];
	_ =	sdelay $0x3  }
0x33: {  	p0 =	seq.s32 s10, $0x1;
	s10 =	sld [smem:$0x3FB6];
	_ =	sdelay $0x3  }
0x34: {  	[smem:$0x3FB6] =	sst s10  }
0x35: {  	s10 =	sld [smem:$0x3FB5];
	_ =	sdelay $0x3  }
0x36: {  	p1 =	seq.s32 s10, $0x1;
	s10 =	sld [smem:$0x3FB6];
	_ =	sdelay $0x3  }
0x37: {  	[smem:$0x3FB6] =	sst s10  }
0x38: {  	s10 =	sld [smem:$0x3FB7]  }
0x39: {  	_ = 	snop;
	(pc) =	sbr.ind lr, $3  }
0x3a: {  	_ = 	snop  }
0x3b: {  	_ = 	snop  }
0x3c: {  	p2 =	seq.s32 s10, $0x1;
	s10 =	sld [smem:$0x3FB6]  }
0x3d: {  	_ =	shalt  }
0x3e: {  	_ =	shalt  }
0x3f: {  	_ =	shalt  }
0x40: {  	_ =	shalt  }
0x41: {  	_ =	shalt  }
0x42: {  	_ =	shalt  }
0x43: {  	_ =	shalt  }
0x44: {  	_ =	shalt  }
0x45: {  	_ =	shalt  }
0x46: {  	_ =	shalt  }
0x47: {  	_ =	shalt  }
0x48: {  	_ =	shalt  }
0x49: {  	_ =	shalt  }
0x4a: {  	_ =	shalt  }
0x4b: {  	_ =	shalt  }
0x4c: {  	_ =	shalt  }
0x4d: {  	_ =	shalt  }
0x4e: {  	_ =	shalt  }
0x4f: {  	_ =	shalt  }
0x50: {  	_ =	shalt  }
0x51: {  	_ =	shalt  }
0x52: {  	_ =	shalt  }
0x53: {  	_ =	shalt  }
0x54: {  	_ =	shalt  }
0x55: {  	_ =	shalt  }
0x56: {  	_ =	shalt  }
0x57: {  	_ =	shalt  }
0x58: {  	_ =	shalt  }
0x59: {  	_ =	shalt  }
0x5a: {  	_ =	shalt  }
0x5b: {  	_ =	shalt  }
0x5c: {  	_ =	shalt  }
0x5d: {  	_ =	shalt  }
0x5e: {  	_ =	shalt  }
0x5f: {  	_ =	shalt  }
0x60: {  	_ =	shalt  }
0x61: {  	_ =	shalt  }
0x62: {  	_ =	shalt  }
0x63: {  	_ =	shalt  }
0x64: {  	_ =	shalt  }
0x65: {  	_ =	shalt  }
0x66: {  	_ =	shalt  }
0x67: {  	_ =	shalt  }
0x68: {  	_ =	shalt  }
0x69: {  	_ =	shalt  }
0x6a: {  	_ =	shalt  }
0x6b: {  	_ =	shalt  }
0x6c: {  	_ =	shalt  }
0x6d: {  	_ =	shalt  }
0x6e: {  	_ =	shalt  }
0x6f: {  	_ =	shalt  }
0x70: {  	_ =	shalt  }
0x71: {  	_ =	shalt  }
0x72: {  	_ =	shalt  }
0x73: {  	_ =	shalt  }
0x74: {  	_ =	shalt  }
0x75: {  	_ =	shalt  }
0x76: {  	_ =	shalt  }
0x77: {  	_ =	shalt  }
0x78: {  	_ =	shalt  }
0x79: {  	_ =	shalt  }
0x7a: {  	_ =	shalt  }
0x7b: {  	_ =	shalt  }
0x7c: {  	_ =	shalt  }
0x7d: {  	_ =	shalt  }
0x7e: {  	_ =	shalt  }
0x7f: {  	_ =	shalt  }
0x80: {  	_ =	shalt  }
0x81: {  	_ =	shalt  }
0x82: {  	_ =	shalt  }
0x83: {  	_ =	shalt  }
0x84: {  	_ =	shalt  }
0x85: {  	_ =	shalt  }
0x86: {  	_ =	shalt  }
0x87: {  	_ =	shalt  }
.Lfunc_end0:
.L_simem_size_0:
called_computation_lowered:
.L_overlay_start_0:
0x88: {  	s2 =	sld [smem:$0x3FD9]  }
0x89: {  	s3 =	sld [smem:$0x3FFE];
	_ =	sdelay $0x1  }
0x8a: {  	s1 =	srdreg.scid  }
0x8b: {  	s0 =	sand.u32 $0x1, s1  }
0x8c: {  	s17 =	sshll.u32 s0, $0xA;
	s2 =	sadd.s32 s3, s2  }
0x8d: {  	s2 =	sadd.s32 s2, s17  }
0x8e: {  	[smem:$0x3FC2] =	sst s2  }
0x8f: {  	_ = 	snop  }
0x90: {  	s2 =	sld [smem:$0x3FC9]  }
0x91: {  	s18 =	sld [smem:$0x3FD0];
	(tm) =	ssettm $0x1  }
0x92: {  	s4 =	sld [smem:$0x3FFB];
	_ =	sdelay $0x3  }
0x93: {  	_ =	strace s4  }
0x94: {  	s4 =	sld [smem:$0x3FFC];
	_ =	sdelay $0x3  }
0x95: {  	_ =	strace s4  }
0x96: {  	s4 =	sld [smem:$0x3FFD];
	_ =	sdelay $0x3  }
0x97: {  	_ =	strace s4  }
0x98: {  	_ =	strace $0x8FFFFFFF  }
0x99: {  	s19 =	sld [smem:$0x3FDB];
	_ =	sdelay $0x1  }
0x9a: {  	s5 =	simm.s32 $_scs_section_size  }
0x9b: {  	s6 =	simm.s32 $_size__tile_overlayer_lowered;
	s7 =	simm.s32 $_tile_overlayer_lowered  }
0x9c: {  	s22 =	simm.s32 $0x1BFF;
	s21 =	sshll.u32 s7, $0x1;
	s4 =	sadd.s32 s5, s19  }
0x9d: {  	s8 =	simm.s32 $0x0;
	s20 =	sshll.u32 s6, $0x1;
	s6 =	sadd.s32 s21, s4  }
0x9e: {  	[timem:s8], [sflag:s22] =	dma.local [hbm:s6], s20  }
0x9f: {  	_ =	swait.ge [sflag:s22], s20  }
0xa0: {  	s5 =	ssub.s32 $0x0, s20;
	[sflag:s22] =	ssyncset.done $0x0  }
0xa1: {  	[sflag:s22] =	ssyncadd.s32 s5;
	_ =	sdelay $0x1  }
0xa2: {  	s23 =	simm.s32 $0x1B8B  }
0xa3: {  	_ =	swait.ge [sflag:s23], $0x1  }
0xa4: {  	[sflag:s23] =	ssyncset.done $0x0  }
0xa5: {  	s25 =	simm.s32 $0x1B8E;
	s24 =	sld [smem:$0x3FFE];
	[sflag:s23] =	ssyncadd.s32 $0xFFFFFFFF  }
0xa6: {  	s26 =	simm.s32 $execute0_lowered;
	[smem:$0x3FD2] =	sst s25  }
0xa7: {  	s6 =	sshll.u32 s26, $0x1;
	_ =	strace $0x80000046;
	[dreg:$0x1] =	wrdreg $0xFFFFFFFF  }
0xa8: {  	s28 =	simm.s32 $_size_execute0_lowered;
	s4 =	sadd.s32 s4, s6;
	[dreg:$0x0] =	wrdreg $0x0  }
0xa9: {  	s6 =	sshll.u32 s28, $0x1;
	[dreg:$0x2] =	wrdreg s4  }
0xaa: {  	[dreg:$0x3] =	wrdreg s6  }
0xab: {  	[dreg:$0x4] =	wrdreg $0xC0  }
0xac: {  	_ =	task [dreg:s8], $0x5FFFF  }
0xad: {  	[dreg:$0x1] =	wrdreg $0xFFFFFFFF  }
0xae: {  	[dreg:$0x0] =	wrdreg $0x60  }
0xaf: {  	[dreg:$0x2] =	wrdreg s2  }
0xb0: {  	[dreg:$0x3] =	wrdreg s24  }
0xb1: {  	[dreg:$0x4] =	wrdreg s18  }
0xb2: {  	[dreg:$0x5] =	wrdreg $0xBC000  }
0xb3: {  	[dreg:$0x6] =	wrdreg $0x9  }
0xb4: {  	_ =	task.clear_ibuf [dreg:s8], $0x7FFFF;
	_ =	strace $0x90000046  }
0xb5: {  	s29 =	simm.s32 $0x9;
	_ =	strace $0x80000048  }
0xb6: {  	_ =	swait.ge [sflag:s29], $0x1  }
0xb7: {  	[sflag:s29] =	ssyncadd.s32 $0xFFFFFFFF  }
0xb8: {  	_ =	strace $0x90000048  }
0xb9: {  	_ =	sfence  }
0xba: {  	s30 =	sld [smem:$0x0];
	_ =	sdelay $0x2  }
0xbb: {  	s31 =	sshll.u32 s1, $0xD;
	s1 =	sshrl.u32 s1, $0x2  }
0xbc: {  	s3 =	sand.u32 $0x4000, s31;
	s1 =	sadd.s32 s1, s30  }
0xbd: {  	s0 =	sor.u32 s3, s0;
	s1 =	sshll.u32 s1, $0x11  }
0xbe: {  	s0 =	sor.u32 s1, s0  }
0xbf: {  	s0 =	sadd.s32 $0x8F2B, s0  }
0xc0: {  	[sflag:s0] =	ssyncadd.remote.s32 $0x1  }
0xc1: {  	_ =	sfence.sel $0xFFFF  }
0xc2: {  	[dreg:$0x0] =	wrdreg $0xFFFFFFFF;
	(pc) =	sbr.abs _section_cstart, $3  }
0xc3: {  	[dreg:$0x1] =	wrdreg $0xFFFFFFFF  }
0xc4: {  	_ =	task.clear_ibuf [dreg:s8], $0x2FFFF;
	_ =	strace $0x9FFFFFFF  }
0xc5: {  	(tm) =	ssettm $0x7FFFFFFF  }
tec
execute0_lowered:
.L_overlay_start_1:
0x0: {  	(tag) =	ssettag $0x1  }
0x1: {  	s1 =	rddreg [dreg:$0x0]  }
0x2: {  	s0 =	rddreg [dreg:$0x1]  }
0x3: {  	s3 =	rddreg [dreg:$0x2]  }
0x4: {  	s2 =	rddreg [dreg:$0x3]  }
0x5: {  	s5 =	srdreg.scid;
	s4 =	simm.s32 $0x0;
	s14 =	stileid.u32  }
0x6: {  	s5 =	sand.u32 $0x1, s5;
	[smem:$0x7FF] =	sst s4;
	s8 =	sadd.s32 $0xB200, s0  }
0x7: {  	s9 =	sadd.s32 $0x1400, s0;
	s11 =	sadd.s32 $0x15000, s0;
	s26 =	smul.u32 $0x50000, s14  }
0x8: {  	s19 =	sadd.s32 $0x15400, s0;
	s30 =	sshll.u32 s14, $0x7;
	s31 =	smul.u32 $0x2710, s14  }
0x9: {  	s18 =	smul.u32 $0x2800, s14;
	_ =	strace $0x80000047;
	[dreg:$0x5] =	wrdreg s11  }
0xa: {  	s6 =	sshll.u32 s5, $0x4;
	s7 =	smul.u32 $0x28000, s5;
	[dreg:$0x6] =	wrdreg s19  }
0xb: {  	s20 =	ssub.s32 $0x2, s5;
	s5 =	smul.u32 $0x27100, s5;
	s16 =	sand.u32 $0x380, s30  }
0xc: {  	s6 =	sor.u32 s14, s6;
	s21 =	sshrl.u32 s20, $0x1;
	s29 =	sshrl.u32 s26, $0x2  }
0xd: {  	s14 =	simm.s32 $0x50;
	s10 =	smul.u32 $0x2710, s6;
	s0 =	sadd.s32 s7, s0  }
0xe: {  	s7 =	ssub.s32 s20, s21;
	s6 =	sshrl.u32 s6, $0x3;
	s15 =	sadd.s32 s29, s2  }
0xf: {  	s5 =	sadd.s32 s31, s5;
	s6 =	smul.u32 $0x14000, s6;
	s17 =	sadd.s32 $0x2800, s15  }
0x10: {  	s5 =	sadd.s32 $0x140, s5;
	s20 =	sadd.s32 $0x3C00, s15;
	[dreg:$0x10] =	wrdreg s17  }
0x11: {  	s0 =	sadd.s32 $0x15A00, s0;
	s26 =	sadd.s32 $0x8C00, s15;
	[dreg:$0x12] =	wrdreg s20  }
0x12: {  	s29 =	sadd.s32 $0xB400, s15;
	s30 =	sadd.s32 $0xC800, s15;
	[dreg:$0x1a] =	wrdreg s26  }
0x13: {  	s31 =	sadd.s32 $0xDC00, s15;
	s10 =	sshrl.u32 s10, $0x3;
	[dreg:$0x1c] =	wrdreg s29  }
0x14: {  	s19 =	sshrl.u32 s5, $0x3;
	s0 =	sadd.s32 s18, s0;
	[dreg:$0x1d] =	wrdreg s30  }
0x15: {  	[dreg:$0x1e] =	wrdreg s31;
	s5 =	sadd.s32 $0x10400, s15;
	s17 =	simm.s32 $0x5  }
0x16: {  	s18 =	simm.s32 $0x8000;
	s20 =	simm.s32 $0x5800;
	s26 =	simm.s32 $0x0  }
0x17: {  	s22 =	sadd.s32 s8, s10;
	s23 =	sadd.s32 $0xA, s10;
	[dreg:$0x16] =	wrdreg s0  }
0x18: {  	s12 =	sadd.s32 s9, s10;
	s25 =	sadd.s32 $0x14, s10;
	[dreg:$0x7] =	wrdreg s22  }
0x19: {  	s10 =	sadd.s32 $0x1E, s10;
	s21 =	sadd.s32 s19, s9;
	[dreg:$0x8] =	wrdreg s12  }
0x1a: {  	s6 =	sor.u32 s16, s6;
	s24 =	sadd.s32 s8, s23;
	[dreg:$0x13] =	wrdreg s21  }
0x1b: {  	s16 =	simm.s32 $0x800;
	s11 =	sadd.s32 s9, s23;
	[dreg:$0x9] =	wrdreg s24  }
0x1c: {  	s13 =	sadd.s32 s8, s25;
	s28 =	sadd.s32 s8, s10;
	[dreg:$0xa] =	wrdreg s11  }
0x1d: {  	s10 =	sadd.s32 s9, s10;
	s6 =	sshrl.u32 s6, $0x3;
	[dreg:$0xb] =	wrdreg s13  }
0x1e: {  	s22 =	sadd.s32 $0x5000, s15;
	s23 =	sadd.s32 $0x6400, s15;
	[dreg:$0xd] =	wrdreg s28  }
0x1f: {  	s12 =	simm.s32 $0x180;
	s21 =	simm.s32 $0xC;
	[dreg:$0xe] =	wrdreg s10  }
0x20: {  	s11 =	sadd.s32 s9, s25;
	s3 =	sadd.s32 s3, s6;
	[dreg:$0x15] =	wrdreg s22  }
0x21: {  	[dreg:$0x17] =	wrdreg s23;
	s24 =	smax.u32 s7, $0x1;
	s25 =	sadd.s32 $0x7800, s15  }
0x22: {  	s28 =	sadd.s32 $0xA000, s15;
	s6 =	sadd.s32 $0x11800, s15;
	s7 =	sadd.s32 $0x12C00, s15  }
0x23: {  	s9 =	simm.s32 $0x80;
	s10 =	simm.s32 $0x480;
	[dreg:$0xc] =	wrdreg s11  }
0x24: {  	s13 =	simm.s32 $0x4;
	s22 =	simm.s32 $0x9400;
	[dreg:$0x11] =	wrdreg s3  }
.Ltmp0:
0x25: {  	s23 =	simm.s32 $0x1;
	[dreg:$0x18] =	wrdreg s24;
	(pc) =	sbr.rel .LBB2_1-.Ltmp0, $4  }
0x26: {  	s11 =	sadd.s32 $0x1400, s15;
	s3 =	sadd.s32 s19, s8;
	[dreg:$0x19] =	wrdreg s25  }
0x27: {  	[dreg:$0x1b] =	wrdreg s28;
	s8 =	simm.s32 $0x400;
	s19 =	simm.s32 $0xD  }
0x28: {  	s24 =	simm.s32 $0x6;
	s25 =	simm.s32 $0xB;
	[dreg:$0xf] =	wrdreg s11  }
0x29: {  	v0 =	vimm.f32 $1.000000000e+00;
	[dreg:$0x14] =	wrdreg s3;
	s3 =	sadd.s32 $0xF000, s15;
	s11 =	simm.s32 $0x500  }
.LBB2_10:
0x2a: {  	_ =	swait.ge [sflag:s25], $0x2800  }
0x2b: {  	[sflag:s25] =	ssyncset.done $0x0  }
0x2c: {  	s0 =	stileid.u32;
	[sflag:s25] =	ssyncadd.s32 $0xFFFFD800  }
0x2d: {  	s0 =	sshll.u32 s0, $0x6;
	[bflag:$0x0] =	sbarrier.arrive $0xFFFF  }
0x2e: {  	s9 =	sshrl.u32 s15, $0x3;
	s0 =	sor.u32 $0x1C0D, s0;
	s28 =	rddreg [dreg:$0x16]  }
0x2f: {  	[hbm:s28], [sflag:s0] =	dma.local [spmem:s9], $0x2800  }
0x30: {  	_ =	swait.ge [sflag:s19], $0x2800  }
0x31: {  	[sflag:s19] =	ssyncset.done $0x0  }
0x32: {  	s9 =	simm.s32 $0x80;
	s30 =	rddreg [dreg:$0x11];
	[sflag:s19] =	ssyncadd.s32 $0xFFFFD800  }
0x33: {  	[hbm4b:s30+s9] =	stream.strided.scatter [tilespmem:s22], [sflag:$0xD], $0x2800, s8, s9, $0x38;
	[tilespmem:$0x1FC00] =	vst v63  }
0x34: {  	_ =	swait.ge [sflag:s19], $0x2800  }
0x35: {  	s26 =	sadd.s32 $0x1, s26;
	s31 =	rddreg [dreg:$0x18]  }
0x36: {  	p0 =	sne.s32 s26, s31  }
.Ltmp1:
0x37: {  	_ = 	snop;
	(pc) =	sbr.rel @!p0 .LBB2_11-.Ltmp1, $3  }
0x38: {  	_ =	sdelay $0x1  }
0x39: {  	[sflag:s19] =	ssyncset.done $0x0  }
0x3a: {  	[sflag:s19] =	ssyncadd.s32 $0xFFFFD800  }
.LBB2_1:
0x3b: {  	s0 =	rddreg [dreg:$0x7]  }
0x3c: {  	[tilespmem:s4], [sflag:$0x4] =	stream.linear.gather [hbm4b:s0+s4], $0x50, $0x38;
	[tilespmem:$0x1FC00] =	vst v63  }
0x3d: {  	s31 =	rddreg [dreg:$0x8]  }
0x3e: {  	[tilespmem:s8], [sflag:$0x4] =	stream.linear.gather [hbm4b:s31+s4], $0x50, $0x38;
	[tilespmem:$0x1FC00] =	vst v63  }
0x3f: {  	s31 =	rddreg [dreg:$0x9]  }
0x40: {  	[tilespmem:s9], [sflag:$0x5] =	stream.linear.gather [hbm4b:s31+s4], $0x50, $0x38;
	[tilespmem:$0x1FC00] =	vst v63  }
0x41: {  	s31 =	rddreg [dreg:$0xa]  }
0x42: {  	[tilespmem:s10], [sflag:$0x5] =	stream.linear.gather [hbm4b:s31+s4], $0x50, $0x38;
	[tilespmem:$0x1FC00] =	vst v63  }
0x43: {  	s9 =	rddreg [dreg:$0xb];
	s31 =	simm.s32 $0x100  }
0x44: {  	[tilespmem:s31], [sflag:$0x6] =	stream.linear.gather [hbm4b:s9+s4], $0x50, $0x38;
	[tilespmem:$0x1FC00] =	vst v63  }
0x45: {  	s9 =	rddreg [dreg:$0xc]  }
0x46: {  	[tilespmem:s11], [sflag:$0x6] =	stream.linear.gather [hbm4b:s9+s4], $0x50, $0x38;
	[tilespmem:$0x1FC00] =	vst v63  }
0x47: {  	s31 =	rddreg [dreg:$0xd]  }
0x48: {  	[tilespmem:s12], [sflag:$0x7] =	stream.linear.gather [hbm4b:s31+s4], $0x50, $0x38;
	[tilespmem:$0x1FC00] =	vst v63  }
0x49: {  	s9 =	rddreg [dreg:$0xe];
	s31 =	simm.s32 $0x580  }
0x4a: {  	[tilespmem:s31], [sflag:$0x7] =	stream.linear.gather [hbm4b:s9+s4], $0x50, $0x38;
	[tilespmem:$0x1FC00] =	vst v63  }
0x4b: {  	_ =	swait.ge [sflag:s13], $0x50  }
0x4c: {  	[sflag:s13] =	ssyncset.done $0x0  }
0x4d: {  	[sflag:s13] =	ssyncadd.s32 $0xFFFFFFB0  }
0x4e: {  	_ =	swait.ge [sflag:s13], $0x50  }
0x4f: {  	[sflag:s13] =	ssyncset.done $0x0  }
0x50: {  	[sflag:s13] =	ssyncadd.s32 $0xFFFFFFB0  }
0x51: {  	[tilespmem:s16], [sflag:$0x1] =	stream.indirect.gather [hbm4b:s1+s14], $0x80, s8, s14, $0xb8;
	[tilespmem:$0x1FC00] =	vst v63  }
0x52: {  	_ =	swait.ge [sflag:s17], $0x50  }
0x53: {  	[sflag:s17] =	ssyncset.done $0x0  }
0x54: {  	[sflag:s17] =	ssyncadd.s32 $0xFFFFFFB0  }
0x55: {  	_ =	swait.ge [sflag:s17], $0x50  }
0x56: {  	[sflag:s17] =	ssyncset.done $0x0  }
0x57: {  	s9 =	simm.s32 $0x3000;
	[sflag:s17] =	ssyncadd.s32 $0xFFFFFFB0  }
0x58: {  	[tilespmem:s9], [sflag:$0x2] =	stream.indirect.gather [hbm4b:s1+s14], $0x80, s10, s14, $0xb8;
	[tilespmem:$0x1FC00] =	vst v63  }
0x59: {  	s31 =	rddreg [dreg:$0x5]  }
0x5a: {  	[tilespmem:s18], [sflag:$0xD] =	stream.linear.gather [hbm4b:s31+s4], $0x1400, $0x38;
	[tilespmem:$0x1FC00] =	vst v63  }
0x5b: {  	_ =	swait.ge [sflag:s19], $0x1400  }
0x5c: {  	[sflag:s19] =	ssyncset.done $0x0  }
0x5d: {  	s9 =	rddreg [dreg:$0x6];
	[sflag:s19] =	ssyncadd.s32 $0xFFFFEC00  }
0x5e: {  	[tilespmem:s22], [sflag:$0xD] =	stream.linear.gather [hbm4b:s9+s4], $0x2800, $0x38;
	[tilespmem:$0x1FC00] =	vst v63  }
0x5f: {  	_ =	swait.ge [sflag:s19], $0x2800  }
0x60: {  	[sflag:s19] =	ssyncset.done $0x0  }
0x61: {  	[sflag:s19] =	ssyncadd.s32 $0xFFFFD800  }
0x62: {  	[spmem:s15] =	stream.linear.scatter [tilespmem:s18], [sflag:$0xD], $0x1400, $0x38;
	[tilespmem:$0x1FC00] =	vst v63  }
0x63: {  	_ =	swait.ge [sflag:s19], $0x1400  }
0x64: {  	[sflag:s19] =	ssyncset.done $0x0  }
0x65: {  	s31 =	rddreg [dreg:$0xf];
	[sflag:s19] =	ssyncadd.s32 $0xFFFFEC00  }
0x66: {  	[spmem:s31] =	stream.linear.scatter [tilespmem:s18], [sflag:$0xD], $0x1400, $0x38;
	[tilespmem:$0x1FC00] =	vst v63  }
0x67: {  	_ =	swait.ge [sflag:s19], $0x1400  }
0x68: {  	[sflag:s19] =	ssyncset.done $0x0  }
0x69: {  	s9 =	rddreg [dreg:$0x10];
	[sflag:s19] =	ssyncadd.s32 $0xFFFFEC00  }
0x6a: {  	[spmem:s9] =	stream.linear.scatter [tilespmem:s18], [sflag:$0xD], $0x1400, $0x38;
	[tilespmem:$0x1FC00] =	vst v63  }
0x6b: {  	_ =	swait.ge [sflag:s19], $0x1400  }
0x6c: {  	[sflag:s19] =	ssyncset.done $0x0  }
0x6d: {  	s31 =	rddreg [dreg:$0x12];
	[sflag:s19] =	ssyncadd.s32 $0xFFFFEC00  }
0x6e: {  	[spmem:s31] =	stream.linear.scatter [tilespmem:s18], [sflag:$0xD], $0x1400, $0x38;
	[tilespmem:$0x1FC00] =	vst v63  }
0x6f: {  	_ =	swait.ge [sflag:s19], $0x1400  }
0x70: {  	[sflag:s19] =	ssyncset.done $0x0  }
0x71: {  	s9 =	rddreg [dreg:$0x15];
	[sflag:s19] =	ssyncadd.s32 $0xFFFFEC00  }
0x72: {  	[spmem:s9] =	stream.linear.scatter [tilespmem:s18], [sflag:$0xD], $0x1400, $0x38;
	[tilespmem:$0x1FC00] =	vst v63  }
0x73: {  	_ =	swait.ge [sflag:s19], $0x1400  }
0x74: {  	[sflag:s19] =	ssyncset.done $0x0  }
0x75: {  	s31 =	rddreg [dreg:$0x17];
	[sflag:s19] =	ssyncadd.s32 $0xFFFFEC00  }
0x76: {  	[spmem:s31] =	stream.linear.scatter [tilespmem:s18], [sflag:$0xD], $0x1400, $0x38;
	[tilespmem:$0x1FC00] =	vst v63  }
0x77: {  	_ =	swait.ge [sflag:s19], $0x1400  }
0x78: {  	[sflag:s19] =	ssyncset.done $0x0  }
0x79: {  	s9 =	rddreg [dreg:$0x19];
	[sflag:s19] =	ssyncadd.s32 $0xFFFFEC00  }
0x7a: {  	[spmem:s9] =	stream.linear.scatter [tilespmem:s18], [sflag:$0xD], $0x1400, $0x38;
	[tilespmem:$0x1FC00] =	vst v63  }
0x7b: {  	_ =	swait.ge [sflag:s19], $0x1400  }
0x7c: {  	[sflag:s19] =	ssyncset.done $0x0  }
0x7d: {  	s31 =	rddreg [dreg:$0x1a];
	[sflag:s19] =	ssyncadd.s32 $0xFFFFEC00  }
0x7e: {  	[spmem:s31] =	stream.linear.scatter [tilespmem:s18], [sflag:$0xD], $0x1400, $0x38;
	[tilespmem:$0x1FC00] =	vst v63  }
0x7f: {  	_ =	swait.ge [sflag:s19], $0x1400  }
0x80: {  	[sflag:s19] =	ssyncset.done $0x0  }
0x81: {  	s9 =	rddreg [dreg:$0x1b];
	[sflag:s19] =	ssyncadd.s32 $0xFFFFEC00  }
0x82: {  	[spmem:s9] =	stream.linear.scatter [tilespmem:s18], [sflag:$0xD], $0x1400, $0x38;
	[tilespmem:$0x1FC00] =	vst v63  }
0x83: {  	_ =	swait.ge [sflag:s19], $0x1400  }
0x84: {  	[sflag:s19] =	ssyncset.done $0x0  }
0x85: {  	s31 =	rddreg [dreg:$0x1c];
	[sflag:s19] =	ssyncadd.s32 $0xFFFFEC00  }
0x86: {  	[spmem:s31] =	stream.linear.scatter [tilespmem:s18], [sflag:$0xD], $0x1400, $0x38;
	[tilespmem:$0x1FC00] =	vst v63  }
0x87: {  	_ =	swait.ge [sflag:s19], $0x1400  }
0x88: {  	[sflag:s19] =	ssyncset.done $0x0  }
0x89: {  	s9 =	rddreg [dreg:$0x1d];
	[sflag:s19] =	ssyncadd.s32 $0xFFFFEC00  }
0x8a: {  	[spmem:s9] =	stream.linear.scatter [tilespmem:s18], [sflag:$0xD], $0x1400, $0x38;
	[tilespmem:$0x1FC00] =	vst v63  }
0x8b: {  	_ =	swait.ge [sflag:s19], $0x1400  }
0x8c: {  	[sflag:s19] =	ssyncset.done $0x0  }
0x8d: {  	s31 =	rddreg [dreg:$0x1e];
	[sflag:s19] =	ssyncadd.s32 $0xFFFFEC00  }
0x8e: {  	[spmem:s31] =	stream.linear.scatter [tilespmem:s18], [sflag:$0xD], $0x1400, $0x38;
	[tilespmem:$0x1FC00] =	vst v63  }
0x8f: {  	_ =	swait.ge [sflag:s19], $0x1400  }
0x90: {  	[sflag:s19] =	ssyncset.done $0x0  }
0x91: {  	[sflag:s19] =	ssyncadd.s32 $0xFFFFEC00  }
0x92: {  	[spmem:s3] =	stream.linear.scatter [tilespmem:s18], [sflag:$0xD], $0x1400, $0x38;
	[tilespmem:$0x1FC00] =	vst v63  }
0x93: {  	_ =	swait.ge [sflag:s19], $0x1400  }
0x94: {  	[sflag:s19] =	ssyncset.done $0x0  }
0x95: {  	[sflag:s19] =	ssyncadd.s32 $0xFFFFEC00  }
0x96: {  	[spmem:s5] =	stream.linear.scatter [tilespmem:s18], [sflag:$0xD], $0x1400, $0x38;
	[tilespmem:$0x1FC00] =	vst v63  }
0x97: {  	_ =	swait.ge [sflag:s19], $0x1400  }
0x98: {  	[sflag:s19] =	ssyncset.done $0x0  }
0x99: {  	[sflag:s19] =	ssyncadd.s32 $0xFFFFEC00  }
0x9a: {  	[spmem:s6] =	stream.linear.scatter [tilespmem:s18], [sflag:$0xD], $0x1400, $0x38;
	[tilespmem:$0x1FC00] =	vst v63  }
0x9b: {  	_ =	swait.ge [sflag:s19], $0x1400  }
0x9c: {  	[sflag:s19] =	ssyncset.done $0x0  }
0x9d: {  	[sflag:s19] =	ssyncadd.s32 $0xFFFFEC00  }
0x9e: {  	[spmem:s7] =	stream.linear.scatter [tilespmem:s18], [sflag:$0xD], $0x1400, $0x38;
	[tilespmem:$0x1FC00] =	vst v63  }
0x9f: {  	_ =	swait.ge [sflag:s19], $0x1400  }
.Ltmp2:
0xa0: {  	[sflag:s19] =	ssyncset.done $0x0;
	(pc) =	sbr.rel .LBB2_2-.Ltmp2, $4  }
0xa1: {  	[sflag:s19] =	ssyncadd.s32 $0xFFFFEC00  }
0xa2: {  	[bflag:$0x0] =	sbarrier.arrive $0xFFFF  }
0xa3: {  	s28 =	rddreg [dreg:$0x14]  }
0xa4: {  	s30 =	simm.s32 $0x0;
	s29 =	rddreg [dreg:$0x13]  }
.LBB2_8:
0xa5: {  	_ =	swait.ge [sflag:s23], $0x2800  }
0xa6: {  	[sflag:s23] =	ssyncset.done $0x0  }
0xa7: {  	[sflag:s23] =	ssyncadd.s32 $0xFFFFD800  }
0xa8: {  	_ =	swait.ge [sflag:s21], $0x2800  }
0xa9: {  	p0 =	sgt.u32 s30, $0x7A;
	[sflag:s21] =	ssyncset.done $0x0  }
0xaa: {  	s0 =	simm.s32 @!p0 $0x9;
	[sflag:s21] =	ssyncadd.s32 $0xFFFFD800  }
0xab: {  	_ =	swait.ge @!p0 [sflag:s0], $0x50  }
0xac: {  	[sflag:s0] =	ssyncset.done @!p0 $0x0  }
0xad: {  	[sflag:s0] =	ssyncadd.s32 @!p0 $0xFFFFFFB0  }
0xae: {  	_ =	swait.ge @!p0 [sflag:s0], $0x50  }
0xaf: {  	s9 =	simm.s32 @!p0 $0x680;
	[sflag:s0] =	ssyncset.done @!p0 $0x0  }
0xb0: {  	s31 =	simm.s32 @!p0 $0x5800;
	[sflag:s0] =	ssyncadd.s32 @!p0 $0xFFFFFFB0;
	s0 =	simm.s32 @!p0 $0x50  }
0xb1: {  	[tilespmem:s31], [sflag:$0x3] =	stream.indirect.gather @!p0 [hbm4b:s1+s0], $0x80, s9, s0, $0xb8;
	[tilespmem:$0x1FC00] =	vst v63  }
0xb2: {  	_ = 	snop  }
0xb3: {  	[spmem:s2] =	stream.indirect.scatter.add.f32 [tilespmem:s16], [sflag:$0xA], $0x80, s12, s14, $0xb8;
	[tilespmem:$0x1FC00] =	vst v63  }
0xb4: {  	v1 =	vld [tilespmem:$0x180];
	_ =	sdelay $0x7  }
0xb5: {  	[tilespmem:v1+s22+$0x0] =	vst.idx.add.f32.msk $0xffff, v0  }
0xb6: {  	v1 =	vld [tilespmem:$0x190];
	_ =	sdelay $0x7  }
0xb7: {  	[tilespmem:v1+s22+$0x0] =	vst.idx.add.f32.msk $0xffff, v0  }
0xb8: {  	v1 =	vld [tilespmem:$0x1A0];
	_ =	sdelay $0x7  }
0xb9: {  	[tilespmem:v1+s22+$0x0] =	vst.idx.add.f32.msk $0xffff, v0  }
0xba: {  	v1 =	vld [tilespmem:$0x1B0];
	_ =	sdelay $0x7  }
0xbb: {  	[tilespmem:v1+s22+$0x0] =	vst.idx.add.f32.msk $0xffff, v0  }
0xbc: {  	v1 =	vld [tilespmem:$0x1C0];
	_ =	sdelay $0x6  }
0xbd: {  	p0 =	sgt.u32 s30, $0x78  }
0xbe: {  	s0 =	simm.s32 @!p0 $0x0;
	s9 =	simm.s32 @!p0 $0x80;
	[tilespmem:v1+s22+$0x0] =	vst.idx.add.f32.msk $0xffff, v0  }
0xbf: {  	[tilespmem:s9], [sflag:$0x5] =	stream.linear.gather @!p0 [hbm4b:s28+s0], $0x50, $0x38;
	[tilespmem:$0x1FC00] =	vst v63  }
0xc0: {  	s9 =	simm.s32 @!p0 $0x480  }
0xc1: {  	[tilespmem:s9], [sflag:$0x5] =	stream.linear.gather @!p0 [hbm4b:s29+s0], $0x50, $0x38;
	[tilespmem:$0x1FC00] =	vst v63  }
.LBB2_9:
0xc2: {  	s30 =	sadd.s32 $0x1, s30  }
0xc3: {  	p0 =	sne.s32 s30, $0x7D  }
.Ltmp3:
0xc4: {  	_ = 	snop;
	(pc) =	sbr.rel @!p0 .LBB2_10-.Ltmp3, $2  }
0xc5: {  	_ =	sdelay $0x2  }
0xc6: {  	s29 =	sadd.s32 $0xA, s29;
	s28 =	sadd.s32 $0xA, s28  }
.LBB2_2:
0xc7: {  	s31 =	smul.u32 $0xAB, s30;
	_ =	sdelay $0x1  }
0xc8: {  	s31 =	sshrl.u32 s31, $0xA  }
0xc9: {  	s31 =	sand.u32 $0x3F, s31  }
0xca: {  	s31 =	smul.u32 $0x6, s31;
	_ =	sdelay $0x1  }
0xcb: {  	s31 =	ssub.s32 s30, s31  }
0xcc: {  	s31 =	sand.u32 $0xFF, s31  }
0xcd: {  	p0 =	sgt.s32 s31, $0x2  }
.Ltmp4:
0xce: {  	_ = 	snop;
	(pc) =	sbr.rel @p0 .LBB2_5-.Ltmp4, $1  }
0xcf: {  	_ =	sdelay $0x3  }
0xd0: {  	p0 =	seq.s32 s31, $0x0  }
.Ltmp5:
0xd1: {  	_ = 	snop;
	(pc) =	sbr.rel @p0 .LBB2_7-.Ltmp5, $1  }
0xd2: {  	_ =	sdelay $0x3  }
0xd3: {  	p0 =	seq.s32 s31, $0x1  }
0xd4: {  	s31 =	simm.s32 @p0 $0x2  }
0xd5: {  	_ =	swait.ge @p0 [sflag:s31], $0x2800  }
0xd6: {  	[sflag:s31] =	ssyncset.done @p0 $0x0  }
0xd7: {  	[sflag:s31] =	ssyncadd.s32 @p0 $0xFFFFD800;
	s31 =	simm.s32 @p0 $0xA  }
0xd8: {  	p1 =	sgt.u32 @p0 s30, $0x7A;
	_ =	swait.ge @p0 [sflag:s31], $0x2800  }
0xd9: {  	p1 =	por p1, !p0;
	[sflag:s31] =	ssyncset.done @p0 $0x0  }
0xda: {  	[sflag:s31] =	ssyncadd.s32 @p0 $0xFFFFD800;
	s31 =	simm.s32 @!p1 $0x7  }
0xdb: {  	_ =	swait.ge @!p1 [sflag:s31], $0x50  }
0xdc: {  	[sflag:s31] =	ssyncset.done @!p1 $0x0  }
0xdd: {  	[sflag:s31] =	ssyncadd.s32 @!p1 $0xFFFFFFB0  }
0xde: {  	_ =	swait.ge @!p1 [sflag:s31], $0x50  }
0xdf: {  	s9 =	simm.s32 @!p1 $0x580;
	[sflag:s31] =	ssyncset.done @!p1 $0x0  }
0xe0: {  	s0 =	simm.s32 @!p1 $0x800;
	[sflag:s31] =	ssyncadd.s32 @!p1 $0xFFFFFFB0;
	s31 =	simm.s32 @!p1 $0x50  }
0xe1: {  	[tilespmem:s0], [sflag:$0x1] =	stream.indirect.gather @!p1 [hbm4b:s1+s31], $0x80, s9, s31, $0xb8;
	[tilespmem:$0x1FC00] =	vst v63  }
0xe2: {  	s0 =	simm.s32 @p0 $0x50;
	s9 =	simm.s32 @p0 $0x80;
	s31 =	simm.s32 @p0 $0x3000  }
0xe3: {  	[spmem:s2] =	stream.indirect.scatter.add.f32 @p0 [tilespmem:s31], [sflag:$0xB], $0x80, s9, s0, $0xb8;
	[tilespmem:$0x1FC00] =	vst v63  }
0xe4: {  	v1 =	vld @p0 [tilespmem:$0x80];
	_ =	sdelay $0x6  }
0xe5: {  	v2 =	vimm.f32 @p0 $1.000000000e+00;
	s0 =	simm.s32 @p0 $0x9400  }
0xe6: {  	[tilespmem:v1+s0+$0x0] =	vst.idx.add.f32.msk @p0 $0xffff, v2  }
0xe7: {  	v1 =	vld @p0 [tilespmem:$0x90];
	_ =	sdelay $0x7  }
0xe8: {  	[tilespmem:v1+s0+$0x0] =	vst.idx.add.f32.msk @p0 $0xffff, v2  }
0xe9: {  	v1 =	vld @p0 [tilespmem:$0xA0];
	_ =	sdelay $0x7  }
0xea: {  	[tilespmem:v1+s0+$0x0] =	vst.idx.add.f32.msk @p0 $0xffff, v2  }
0xeb: {  	v1 =	vld @p0 [tilespmem:$0xB0];
	_ =	sdelay $0x7  }
0xec: {  	[tilespmem:v1+s0+$0x0] =	vst.idx.add.f32.msk @p0 $0xffff, v2  }
0xed: {  	v1 =	vld @p0 [tilespmem:$0xC0];
	_ =	sdelay $0x5  }
0xee: {  	p1 =	sgt.u32 @p0 s30, $0x78  }
0xef: {  	p1 =	por p1, !p0  }
0xf0: {  	s9 =	simm.s32 @!p1 $0x280;
	[tilespmem:v1+s0+$0x0] =	vst.idx.add.f32.msk @p0 $0xffff, v2;
	s0 =	simm.s32 @!p1 $0x0  }
0xf1: {  	[tilespmem:s9], [sflag:$0x9] =	stream.linear.gather @!p1 [hbm4b:s28+s0], $0x50, $0x38;
	[tilespmem:$0x1FC00] =	vst v63  }
0xf2: {  	s9 =	simm.s32 @!p1 $0x680  }
0xf3: {  	[tilespmem:s9], [sflag:$0x9] =	stream.linear.gather @!p1 [hbm4b:s29+s0], $0x50, $0x38;
	[tilespmem:$0x1FC00] =	vst v63  }
0xf4: {  	s0 =	simm.s32 @!p0 $0x3  }
0xf5: {  	_ =	swait.ge @!p0 [sflag:s0], $0x2800  }
0xf6: {  	[sflag:s0] =	ssyncset.done @!p0 $0x0  }
0xf7: {  	[sflag:s0] =	ssyncadd.s32 @!p0 $0xFFFFD800;
	s0 =	simm.s32 @!p0 $0xB  }
0xf8: {  	p1 =	sgt.u32 @!p0 s30, $0x7A;
	_ =	swait.ge @!p0 [sflag:s0], $0x2800  }
0xf9: {  	p1 =	por p1, p0;
	[sflag:s0] =	ssyncset.done @!p0 $0x0  }
0xfa: {  	[sflag:s0] =	ssyncadd.s32 @!p0 $0xFFFFD800;
	s0 =	simm.s32 @!p1 $0x8  }
0xfb: {  	_ =	swait.ge @!p1 [sflag:s0], $0x50  }
0xfc: {  	[sflag:s0] =	ssyncset.done @!p1 $0x0  }
0xfd: {  	[sflag:s0] =	ssyncadd.s32 @!p1 $0xFFFFFFB0  }
0xfe: {  	_ =	swait.ge @!p1 [sflag:s0], $0x50  }
0xff: {  	s9 =	simm.s32 @!p1 $0x600;
	[sflag:s0] =	ssyncset.done @!p1 $0x0  }
0x100: {  	s31 =	simm.s32 @!p1 $0x3000;
	[sflag:s0] =	ssyncadd.s32 @!p1 $0xFFFFFFB0;
	s0 =	simm.s32 @!p1 $0x50  }
0x101: {  	[tilespmem:s31], [sflag:$0x2] =	stream.indirect.gather @!p1 [hbm4b:s1+s0], $0x80, s9, s0, $0xb8;
	[tilespmem:$0x1FC00] =	vst v63  }
0x102: {  	s0 =	simm.s32 @!p0 $0x50;
	s9 =	simm.s32 @!p0 $0x100;
	s31 =	simm.s32 @!p0 $0x5800  }
0x103: {  	[spmem:s2] =	stream.indirect.scatter.add.f32 @!p0 [tilespmem:s31], [sflag:$0xC], $0x80, s9, s0, $0xb8;
	[tilespmem:$0x1FC00] =	vst v63  }
0x104: {  	v1 =	vld @!p0 [tilespmem:$0x100];
	_ =	sdelay $0x6  }
0x105: {  	v2 =	vimm.f32 @!p0 $1.000000000e+00;
	s0 =	simm.s32 @!p0 $0x9400  }
0x106: {  	[tilespmem:v1+s0+$0x0] =	vst.idx.add.f32.msk @!p0 $0xffff, v2  }
0x107: {  	v1 =	vld @!p0 [tilespmem:$0x110];
	_ =	sdelay $0x7  }
0x108: {  	[tilespmem:v1+s0+$0x0] =	vst.idx.add.f32.msk @!p0 $0xffff, v2  }
0x109: {  	v1 =	vld @!p0 [tilespmem:$0x120];
	_ =	sdelay $0x7  }
0x10a: {  	[tilespmem:v1+s0+$0x0] =	vst.idx.add.f32.msk @!p0 $0xffff, v2  }
0x10b: {  	v1 =	vld @!p0 [tilespmem:$0x130];
	_ =	sdelay $0x7  }
0x10c: {  	[tilespmem:v1+s0+$0x0] =	vst.idx.add.f32.msk @!p0 $0xffff, v2  }
0x10d: {  	v1 =	vld @!p0 [tilespmem:$0x140];
	_ =	sdelay $0x5  }
0x10e: {  	p1 =	sgt.u32 @!p0 s30, $0x78  }
.Ltmp6:
0x10f: {  	p1 =	por p1, p0;
	(pc) =	sbr.rel .LBB2_9-.Ltmp6, $4  }
0x110: {  	[tilespmem:v1+s0+$0x0] =	vst.idx.add.f32.msk @!p0 $0xffff, v2;
	s0 =	simm.s32 @!p1 $0x0  }
0x111: {  	[tilespmem:s0], [sflag:$0x4] =	stream.linear.gather @!p1 [hbm4b:s28+s0], $0x50, $0x38;
	[tilespmem:$0x1FC00] =	vst v63  }
0x112: {  	s9 =	simm.s32 @!p1 $0x400  }
0x113: {  	[tilespmem:s9], [sflag:$0x4] =	stream.linear.gather @!p1 [hbm4b:s29+s0], $0x50, $0x38;
	[tilespmem:$0x1FC00] =	vst v63  }
.LBB2_5:
0x114: {  	p0 =	seq.s32 s31, $0x3  }
.Ltmp7:
0x115: {  	_ = 	snop;
	(pc) =	sbr.rel @p0 .LBB2_8-.Ltmp7, $1  }
0x116: {  	_ =	sdelay $0x3  }
0x117: {  	p0 =	seq.s32 s31, $0x4  }
0x118: {  	s0 =	simm.s32 @p0 $0x2  }
0x119: {  	_ =	swait.ge @p0 [sflag:s0], $0x2800  }
0x11a: {  	[sflag:s0] =	ssyncset.done @p0 $0x0  }
0x11b: {  	[sflag:s0] =	ssyncadd.s32 @p0 $0xFFFFD800;
	s0 =	simm.s32 @p0 $0xA  }
0x11c: {  	p1 =	sgt.u32 @p0 s30, $0x7A;
	_ =	swait.ge @p0 [sflag:s0], $0x2800  }
0x11d: {  	p1 =	por p1, !p0;
	[sflag:s0] =	ssyncset.done @p0 $0x0  }
0x11e: {  	[sflag:s0] =	ssyncadd.s32 @p0 $0xFFFFD800;
	s0 =	simm.s32 @!p1 $0x4  }
0x11f: {  	_ =	swait.ge @!p1 [sflag:s0], $0x50  }
0x120: {  	[sflag:s0] =	ssyncset.done @!p1 $0x0  }
0x121: {  	[sflag:s0] =	ssyncadd.s32 @!p1 $0xFFFFFFB0  }
0x122: {  	_ =	swait.ge @!p1 [sflag:s0], $0x50  }
0x123: {  	s9 =	simm.s32 @!p1 $0x400;
	[sflag:s0] =	ssyncset.done @!p1 $0x0  }
0x124: {  	s31 =	simm.s32 @!p1 $0x800;
	[sflag:s0] =	ssyncadd.s32 @!p1 $0xFFFFFFB0;
	s0 =	simm.s32 @!p1 $0x50  }
0x125: {  	[tilespmem:s31], [sflag:$0x1] =	stream.indirect.gather @!p1 [hbm4b:s1+s0], $0x80, s9, s0, $0xb8;
	[tilespmem:$0x1FC00] =	vst v63  }
0x126: {  	s0 =	simm.s32 @p0 $0x50;
	s9 =	simm.s32 @p0 $0x200;
	s31 =	simm.s32 @p0 $0x3000  }
0x127: {  	[spmem:s2] =	stream.indirect.scatter.add.f32 @p0 [tilespmem:s31], [sflag:$0xB], $0x80, s9, s0, $0xb8;
	[tilespmem:$0x1FC00] =	vst v63  }
0x128: {  	v1 =	vld @p0 [tilespmem:$0x200];
	_ =	sdelay $0x6  }
0x129: {  	v2 =	vimm.f32 @p0 $1.000000000e+00;
	s0 =	simm.s32 @p0 $0x9400  }
0x12a: {  	[tilespmem:v1+s0+$0x0] =	vst.idx.add.f32.msk @p0 $0xffff, v2  }
0x12b: {  	v1 =	vld @p0 [tilespmem:$0x210];
	_ =	sdelay $0x7  }
0x12c: {  	[tilespmem:v1+s0+$0x0] =	vst.idx.add.f32.msk @p0 $0xffff, v2  }
0x12d: {  	v1 =	vld @p0 [tilespmem:$0x220];
	_ =	sdelay $0x7  }
0x12e: {  	[tilespmem:v1+s0+$0x0] =	vst.idx.add.f32.msk @p0 $0xffff, v2  }
0x12f: {  	v1 =	vld @p0 [tilespmem:$0x230];
	_ =	sdelay $0x7  }
0x130: {  	[tilespmem:v1+s0+$0x0] =	vst.idx.add.f32.msk @p0 $0xffff, v2  }
0x131: {  	v1 =	vld @p0 [tilespmem:$0x240];
	_ =	sdelay $0x5  }
0x132: {  	p1 =	sgt.u32 @p0 s30, $0x78  }
0x133: {  	p1 =	por p1, !p0  }
0x134: {  	s9 =	simm.s32 @!p1 $0x100;
	[tilespmem:v1+s0+$0x0] =	vst.idx.add.f32.msk @p0 $0xffff, v2;
	s0 =	simm.s32 @!p1 $0x0  }
0x135: {  	[tilespmem:s9], [sflag:$0x6] =	stream.linear.gather @!p1 [hbm4b:s28+s0], $0x50, $0x38;
	[tilespmem:$0x1FC00] =	vst v63  }
0x136: {  	s9 =	simm.s32 @!p1 $0x500  }
0x137: {  	[tilespmem:s9], [sflag:$0x6] =	stream.linear.gather @!p1 [hbm4b:s29+s0], $0x50, $0x38;
	[tilespmem:$0x1FC00] =	vst v63  }
0x138: {  	s0 =	simm.s32 @!p0 $0x3  }
0x139: {  	_ =	swait.ge @!p0 [sflag:s0], $0x2800  }
0x13a: {  	[sflag:s0] =	ssyncset.done @!p0 $0x0  }
0x13b: {  	[sflag:s0] =	ssyncadd.s32 @!p0 $0xFFFFD800;
	s0 =	simm.s32 @!p0 $0xB  }
0x13c: {  	p1 =	sgt.u32 @!p0 s30, $0x7A;
	_ =	swait.ge @!p0 [sflag:s0], $0x2800  }
0x13d: {  	p1 =	por p1, p0;
	[sflag:s0] =	ssyncset.done @!p0 $0x0  }
0x13e: {  	[sflag:s0] =	ssyncadd.s32 @!p0 $0xFFFFD800;
	s0 =	simm.s32 @!p1 $0x5  }
0x13f: {  	_ =	swait.ge @!p1 [sflag:s0], $0x50  }
0x140: {  	[sflag:s0] =	ssyncset.done @!p1 $0x0  }
0x141: {  	[sflag:s0] =	ssyncadd.s32 @!p1 $0xFFFFFFB0  }
0x142: {  	_ =	swait.ge @!p1 [sflag:s0], $0x50  }
0x143: {  	s9 =	simm.s32 @!p1 $0x480;
	[sflag:s0] =	ssyncset.done @!p1 $0x0  }
0x144: {  	s31 =	simm.s32 @!p1 $0x3000;
	[sflag:s0] =	ssyncadd.s32 @!p1 $0xFFFFFFB0;
	s0 =	simm.s32 @!p1 $0x50  }
0x145: {  	[tilespmem:s31], [sflag:$0x2] =	stream.indirect.gather @!p1 [hbm4b:s1+s0], $0x80, s9, s0, $0xb8;
	[tilespmem:$0x1FC00] =	vst v63  }
0x146: {  	s0 =	simm.s32 @!p0 $0x50;
	s9 =	simm.s32 @!p0 $0x280;
	s31 =	simm.s32 @!p0 $0x5800  }
0x147: {  	[spmem:s2] =	stream.indirect.scatter.add.f32 @!p0 [tilespmem:s31], [sflag:$0xC], $0x80, s9, s0, $0xb8;
	[tilespmem:$0x1FC00] =	vst v63  }
0x148: {  	v1 =	vld @!p0 [tilespmem:$0x280];
	_ =	sdelay $0x6  }
0x149: {  	v2 =	vimm.f32 @!p0 $1.000000000e+00;
	s0 =	simm.s32 @!p0 $0x9400  }
0x14a: {  	[tilespmem:v1+s0+$0x0] =	vst.idx.add.f32.msk @!p0 $0xffff, v2  }
0x14b: {  	v1 =	vld @!p0 [tilespmem:$0x290];
	_ =	sdelay $0x7  }
0x14c: {  	[tilespmem:v1+s0+$0x0] =	vst.idx.add.f32.msk @!p0 $0xffff, v2  }
0x14d: {  	v1 =	vld @!p0 [tilespmem:$0x2A0];
	_ =	sdelay $0x7  }
0x14e: {  	[tilespmem:v1+s0+$0x0] =	vst.idx.add.f32.msk @!p0 $0xffff, v2  }
0x14f: {  	v1 =	vld @!p0 [tilespmem:$0x2B0];
	_ =	sdelay $0x7  }
0x150: {  	[tilespmem:v1+s0+$0x0] =	vst.idx.add.f32.msk @!p0 $0xffff, v2  }
0x151: {  	v1 =	vld @!p0 [tilespmem:$0x2C0];
	_ =	sdelay $0x5  }
0x152: {  	p1 =	sgt.u32 @!p0 s30, $0x78  }
.Ltmp8:
0x153: {  	p1 =	por p1, p0;
	(pc) =	sbr.rel .LBB2_9-.Ltmp8, $4  }
0x154: {  	s9 =	simm.s32 @!p1 $0x180;
	[tilespmem:v1+s0+$0x0] =	vst.idx.add.f32.msk @!p0 $0xffff, v2;
	s0 =	simm.s32 @!p1 $0x0  }
0x155: {  	[tilespmem:s9], [sflag:$0x7] =	stream.linear.gather @!p1 [hbm4b:s28+s0], $0x50, $0x38;
	[tilespmem:$0x1FC00] =	vst v63  }
0x156: {  	s9 =	simm.s32 @!p1 $0x580  }
0x157: {  	[tilespmem:s9], [sflag:$0x7] =	stream.linear.gather @!p1 [hbm4b:s29+s0], $0x50, $0x38;
	[tilespmem:$0x1FC00] =	vst v63  }
.LBB2_7:
0x158: {  	_ =	swait.ge [sflag:s23], $0x2800  }
0x159: {  	p0 =	seq.s32 s30, $0x0;
	[sflag:s23] =	ssyncset.done $0x0  }
0x15a: {  	s0 =	simm.s32 @!p0 $0xC;
	[sflag:s23] =	ssyncadd.s32 $0xFFFFD800  }
0x15b: {  	_ =	swait.ge @!p0 [sflag:s0], $0x2800  }
0x15c: {  	p1 =	sgt.u32 @!p0 s30, $0x7A;
	[sflag:s0] =	ssyncset.done @!p0 $0x0  }
0x15d: {  	p1 =	por p0, !p1;
	[sflag:s0] =	ssyncadd.s32 @!p0 $0xFFFFD800  }
0x15e: {  	_ =	swait.ge @p1 [sflag:s24], $0x50  }
0x15f: {  	[sflag:s24] =	ssyncset.done @p1 $0x0  }
0x160: {  	[sflag:s24] =	ssyncadd.s32 @p1 $0xFFFFFFB0  }
0x161: {  	_ =	swait.ge @p1 [sflag:s24], $0x50  }
0x162: {  	[sflag:s24] =	ssyncset.done @p1 $0x0  }
0x163: {  	[sflag:s24] =	ssyncadd.s32 @p1 $0xFFFFFFB0  }
0x164: {  	[tilespmem:s20], [sflag:$0x3] =	stream.indirect.gather @p1 [hbm4b:s1+s14], $0x80, s11, s14, $0xb8;
	[tilespmem:$0x1FC00] =	vst v63  }
0x165: {  	_ = 	snop  }
0x166: {  	[spmem:s2] =	stream.indirect.scatter.add.f32 [tilespmem:s16], [sflag:$0xA], $0x80, s4, s14, $0xb8;
	[tilespmem:$0x1FC00] =	vst v63  }
0x167: {  	v1 =	vld [tilespmem:$0x0];
	_ =	sdelay $0x7  }
0x168: {  	[tilespmem:v1+s22+$0x0] =	vst.idx.add.f32.msk $0xffff, v0  }
0x169: {  	v1 =	vld [tilespmem:$0x10];
	_ =	sdelay $0x7  }
0x16a: {  	[tilespmem:v1+s22+$0x0] =	vst.idx.add.f32.msk $0xffff, v0  }
0x16b: {  	v1 =	vld [tilespmem:$0x20];
	_ =	sdelay $0x7  }
0x16c: {  	[tilespmem:v1+s22+$0x0] =	vst.idx.add.f32.msk $0xffff, v0  }
0x16d: {  	v1 =	vld [tilespmem:$0x30];
	_ =	sdelay $0x7  }
0x16e: {  	[tilespmem:v1+s22+$0x0] =	vst.idx.add.f32.msk $0xffff, v0  }
0x16f: {  	v1 =	vld [tilespmem:$0x40];
	_ =	sdelay $0x6  }
.Ltmp9:
0x170: {  	p0 =	sgt.u32 s30, $0x78;
	(pc) =	sbr.rel .LBB2_9-.Ltmp9, $4  }
0x171: {  	s0 =	simm.s32 @!p0 $0x0;
	s9 =	simm.s32 @!p0 $0x200;
	[tilespmem:v1+s22+$0x0] =	vst.idx.add.f32.msk $0xffff, v0  }
0x172: {  	[tilespmem:s9], [sflag:$0x8] =	stream.linear.gather @!p0 [hbm4b:s28+s0], $0x50, $0x38;
	[tilespmem:$0x1FC00] =	vst v63  }
0x173: {  	s9 =	simm.s32 @!p0 $0x600  }
0x174: {  	[tilespmem:s9], [sflag:$0x8] =	stream.linear.gather @!p0 [hbm4b:s29+s0], $0x50, $0x38;
	[tilespmem:$0x1FC00] =	vst v63  }
.LBB2_11:
0x175: {  	_ =	sfence.sel $0x180000  }
0x176: {  	[bflag:$0x0] =	sbarrier.arrive $0xFFFF  }
0x177: {  	_ =	strace $0x90000047  }
0x178: {  	s0 =	stileid.u32;
	[bflag:$0x2] =	sbarrier.arrive $0xFFFF  }
0x179: {  	p0 =	sne.s32 s0, $0x0;
	s0 =	rddreg [dreg:$0x4]  }
0x17a: {  	s0 =	sadd.s32 @!p0 $0x100000, s0  }
0x17b: {  	[sflag:s0] =	ssyncadd.tile.s32 @!p0 $0x1;
	_ =	shalt  }
.Lfunc_end2:
_tile_overlayer_lowered:
.L_overlay_start_2:
0x17c: {  	(tag) =	ssettag $0x2  }
0x17d: {  	s0 =	rddreg [dreg:$0x0];
	s2 =	stileid.u32  }
0x17e: {  	s1 =	rddreg [dreg:$0x1];
	p0 =	sne.s32 s2, $0x0  }
0x17f: {  	s3 =	rddreg [dreg:$0x2];
	[bflag:$0x3] =	sbarrier.arrive $0xFFFF;
	s2 =	simm.s32 @!p0 $0x1C0D  }
0x180: {  	[timem:s3], [sflag:s2] =	dma.local @!p0 [hbm:s0], s1  }
0x181: {  	s0 =	simm.s32 @!p0 $0xD  }
0x182: {  	_ =	swait.ge @!p0 [sflag:s0], s1  }
0x183: {  	s1 =	ssub.s32 @!p0 $0x0, s1;
	[sflag:s0] =	ssyncset.done @!p0 $0x0  }
0x184: {  	[sflag:s0] =	ssyncadd.s32 @!p0 s1  }
0x185: {  	[bflag:$0x3] =	sbarrier.arrive $0xFFFF  }
0x186: {  	_ =	shalt  }

</sc_bundles>
